<compile_context>
chip_gen: v7x
topology: tpu7x:2x2x1
jax: 0.10.2.dev20260603
libtpu: 0.0.44.dev20260713+nightly
codegen_flags: <defaults>
</compile_context>

<pallas_src>
import functools

import numpy as np
import jax
import jax.numpy as jnp
from jax import lax
from jax.experimental import pallas as pl
from jax.experimental.pallas import tpu as pltpu
from jax.experimental.pallas import tpu_sc as plsc

C, H, W = 3, 224, 224
N = H * W
MD = 2
SIGMA = 0.9
KS = 3

_x = np.arange(KS, dtype=np.float64) - KS // 2
_g = np.exp(-(_x ** 2) / (2.0 * SIGMA ** 2))
_g = _g / _g.sum()
K0, K1, K2 = (float(v) for v in _g.astype(np.float32))

NTILES = 16
BLK = N // NTILES
NCH = BLK // 16


def _blur3(x):
    xl = jnp.concatenate([x[:, :, 1:2], x[:, :, : W - 1]], axis=2)
    xr = jnp.concatenate([x[:, :, 1:], x[:, :, W - 2 : W - 1]], axis=2)
    x = K0 * xl + K1 * x + K2 * xr
    xu = jnp.concatenate([x[:, 1:2, :], x[:, : H - 1, :]], axis=1)
    xd = jnp.concatenate([x[:, 1:, :], x[:, H - 2 : H - 1, :]], axis=1)
    return K0 * xu + K1 * x + K2 * xd


def _tc1_body(img_ref, gdx_ref, gdy_ref, blur_ref, g0_ref):
    blur_ref[...] = _blur3(img_ref[...])

    hh = lax.broadcasted_iota(jnp.int32, (H, W), 0)
    ww = lax.broadcasted_iota(jnp.int32, (H, W), 1)
    dx = gdx_ref[...]
    dy = gdy_ref[...]
    region = (hh >= MD + 1) & (hh <= H - MD) & (ww >= MD + 1) & (ww <= W - MD)
    wp = ww + dx
    t = (hh + dy) * W + wp
    cont = region & (
        ((dy == 1) & (hh <= H - MD - 1) & (wp >= MD + 1) & (wp <= W - MD))
        | ((dy == 0) & (dx == 1) & (ww <= W - MD - 1))
    )
    p = hh * W + ww
    g0_ref[...] = jnp.where(region, jnp.where(cont, 2 * t, 2 * t + 1), 2 * p + 1)


def _tc1(img, gdx, gdy):
    return pl.pallas_call(
        _tc1_body,
        out_shape=[
            jax.ShapeDtypeStruct((C, H, W), jnp.float32),
            jax.ShapeDtypeStruct((H, W), jnp.int32),
        ],
    )(img, gdx, gdy)


def _tc2_body(x_ref, o_ref):
    o_ref[...] = jnp.clip(_blur3(x_ref[...]), 0.0, 1.0)


def _tc2(x):
    return pl.pallas_call(
        _tc2_body,
        out_shape=jax.ShapeDtypeStruct((C, H, W), jnp.float32),
    )(x)


def _sc_body(g0_hbm, planes_hbm, o_hbm,
             gblk, qidx, ivals, fvals,
             gm_sh, pl_sh, sem, psem):
    tid = lax.axis_index("s")
    base = tid * BLK

    stage = pltpu.async_copy(
        planes_hbm.at[pl.ds(tid * (3 * BLK), 3 * BLK)], fvals, psem)

    pltpu.sync_copy(g0_hbm.at[pl.ds(base, BLK)], gblk)

    lane16 = lax.iota(jnp.int32, 16)

    def l1_body(k, carry):
        for u in range(4):
            off = (NCH - 1 - (4 * k + u)) * 16
            v = gblk[pl.ds(off, 16)]
            cb = base + off
            stop = ((v & 1) == 1) | ((v >> 1) != cb + lane16 + 1) | (lane16 >= 15)
            enc = jnp.where(stop, ((16 - lane16) << 17) | v, v)
            sfx = lax.rev(plsc.cummax(lax.rev(enc, (0,))), (0,))
            v = sfx & 0x1FFFF
            qb = (v >> 1) - base
            inblk = (qb >= 0) & (qb < BLK) & ((v & 1) == 0)
            gv = plsc.load_gather(gblk, [jnp.clip(qb, 0, BLK - 1)])
            v = jnp.where(inblk, gv, v)
            gblk[pl.ds(off, 16)] = v
            qidx[pl.ds(off, 16)] = v >> 1
        return carry

    lax.fori_loop(0, NCH // 4, l1_body, 0)

    stage.wait()
    pltpu.sync_copy(fvals, pl_sh.at[pl.ds(tid * (3 * BLK), 3 * BLK)])

    pltpu.sync_copy(gblk, gm_sh.at[pl.ds(base, BLK)])
    plsc.subcore_barrier()

    def do_round(publish):
        pltpu.async_copy(gm_sh.at[qidx], ivals, sem).wait()

        def upd(i, c):
            for u in range(4):
                off = (4 * i + u) * 16
                v = gblk[pl.ds(off, 16)]
                gv = ivals[pl.ds(off, 16)]
                nv = jnp.where((v & 1) == 1, v, gv)
                gblk[pl.ds(off, 16)] = nv
                qidx[pl.ds(off, 16)] = nv >> 1
            return c

        lax.fori_loop(0, NCH // 4, upd, 0)
        if publish:
            pltpu.sync_copy(gblk, gm_sh.at[pl.ds(base, BLK)])
            plsc.subcore_barrier()

    def round_fn(r, carry):
        do_round(publish=True)
        return carry

    lax.fori_loop(0, 3, round_fn, 0)
    do_round(publish=False)

    copies = [
        pltpu.async_copy(
            pl_sh.at[pl.ds(c * N, N)].at[qidx],
            fvals.at[pl.ds(c * BLK, BLK)], sem)
        for c in range(3)
    ]
    for cp in copies:
        cp.wait()
    writes = [
        pltpu.async_copy(fvals.at[pl.ds(c * BLK, BLK)],
                         o_hbm.at[pl.ds(c * N + base, BLK)], psem)
        for c in range(3)
    ]
    for wr in writes:
        wr.wait()


@functools.cache
def _make_sc_call():
    mesh = plsc.VectorSubcoreMesh(
        core_axis_name="c", subcore_axis_name="s", num_cores=1)
    return functools.partial(
        pl.kernel,
        mesh=mesh,
        compiler_params=pltpu.CompilerParams(needs_layout_passes=False),
        out_type=[
            jax.ShapeDtypeStruct((C * N,), jnp.float32),
        ],
        scratch_types=[
            pltpu.VMEM((BLK,), jnp.int32),
            pltpu.VMEM((BLK,), jnp.int32),
            pltpu.VMEM((BLK,), jnp.int32),
            pltpu.VMEM((3 * BLK,), jnp.float32),
            pltpu.VMEM_SHARED((N,), jnp.int32),
            pltpu.VMEM_SHARED((3 * N,), jnp.float32),
            pltpu.SemaphoreType.DMA,
            pltpu.SemaphoreType.DMA,
        ],
    )(_sc_body)


def kernel(img, rands):
    flipped = rands[0, ::-1, ::-1, :]
    G = jnp.zeros((H, W, 2), jnp.int32)
    G = lax.dynamic_update_slice(G, flipped, (1, 1, 0))
    gdx = G[:, :, 0]
    gdy = G[:, :, 1]

    blur1, g0 = _tc1(img, gdx, gdy)
    (perm,) = _make_sc_call()(g0.reshape(N), blur1.reshape(C * N))
    return _tc2(perm.reshape(C, H, W))

# --- scband reference (transcript-rebuilt; emitter-appended) ---
"""Pipeline reference for scband-original-glass-blur-14757507629596 (READ-ONLY COPY).

The authoritative reference and input builder live on the scoring server;
editing this copy changes nothing except your own understanding.
"""

import jax, jax.numpy as jnp
import numpy as np

# severity = 2 configuration
SIGMA = 0.9
KERNEL_SIZE = int(SIGMA * 4 // 2 * 2 + 1)  # = 3
ITERATIONS = 1
MAX_DELTA = 2
C, H, W = 3, 224, 224


def _gaussian_kernel1d(ks, sigma):
    # kornia-style normalized gaussian window
    x = np.arange(ks, dtype=np.float64) - ks // 2
    if ks % 2 == 0:
        x = x + 0.5
    g = np.exp(-(x ** 2) / (2.0 * sigma ** 2))
    g = g / g.sum()
    return jnp.asarray(g.astype(np.float32))


def gaussian_blur2d(img_chw, ks, sigma):
    # separable gaussian blur with reflect padding (kornia default border_type)
    c, h, w = img_chw.shape
    k = _gaussian_kernel1d(ks, sigma)
    p = ks // 2
    x = jnp.pad(img_chw, ((0, 0), (0, 0), (p, p)), mode='reflect')
    x = sum(k[i] * x[:, :, i:i + w] for i in range(ks))
    x = jnp.pad(x, ((0, 0), (p, p), (0, 0)), mode='reflect')
    x = sum(k[i] * x[:, i:i + h, :] for i in range(ks))
    return x


def setup_inputs(seed: int = 0) -> dict:
    key = jax.random.key(seed)
    k1, k2 = jax.random.split(key)
    img = jax.random.uniform(k1, (C, H, W), dtype=jnp.float32)
    # internal RNG of the module, materialized as an explicit input
    rands = jax.random.randint(
        k2, (ITERATIONS, H - MAX_DELTA, W - MAX_DELTA, 2),
        -MAX_DELTA, MAX_DELTA, dtype=jnp.int32)
    return {"img": img, "rands": rands}


def reference(img, rands):
    # first blur, then rearrange '1 c h w -> h w c'
    x = gaussian_blur2d(img, KERNEL_SIZE, SIGMA)
    x = jnp.transpose(x, (1, 2, 0))  # (h, w, c)

    nh = H - 2 * MAX_DELTA  # len(range(H-MAX_DELTA, MAX_DELTA, -1))
    nw = W - 2 * MAX_DELTA
    total = ITERATIONS * nh * nw

    def body(t, x):
        t = t.astype(jnp.int32)
        zero = jnp.int32(0)
        it = t // (nh * nw)
        r = t % (nh * nw)
        i = r // nw
        j = r % nw
        h = (H - MAX_DELTA) - i
        w = (W - MAX_DELTA) - j
        d = jax.lax.dynamic_slice(rands, (it, i, j, zero), (1, 1, 1, 2)).reshape(2)
        dx = d[0]
        dy = d[1]
        hp = (h + dy).astype(jnp.int32)
        wp = (w + dx).astype(jnp.int32)
        # faithful to the original buggy python 'swap' using views:
        # img[h,w] <- old img[hp,wp]; img[hp,wp] <- (new) img[h,w] == old img[hp,wp]
        a = jax.lax.dynamic_slice(x, (hp, wp, zero), (1, 1, C))
        x = jax.lax.dynamic_update_slice(x, a, (h, w, zero))
        b = jax.lax.dynamic_slice(x, (h, w, zero), (1, 1, C))
        x = jax.lax.dynamic_update_slice(x, b, (hp, wp, zero))
        return x

    x = jax.lax.fori_loop(0, total, body, x)
    x = jnp.transpose(x, (2, 0, 1))  # 'h w c -> c h w'
    x = gaussian_blur2d(x, KERNEL_SIZE, SIGMA)
    return jnp.clip(x, 0.0, 1.0)

if __name__ == "__main__":
    import jax
    _d = setup_inputs()
    print(jax.jit(kernel)(*tuple(_d.values())))

</pallas_src>

<mosaic_0001>
#map = affine_map<(d0, d1) -> (0)>
module attributes {stable_mosaic.version = 14 : i64} {
  func.func @_sc_body(%arg0: i32, %arg1: i32, %arg2: memref<50176xi32, #tpu.memory_space<hbm>>, %arg3: memref<150528xf32, #tpu.memory_space<hbm>>, %arg4: memref<150528xf32, #tpu.memory_space<hbm>>, %arg5: memref<3136xi32, #tpu.memory_space<vmem>>, %arg6: memref<3136xi32, #tpu.memory_space<vmem>>, %arg7: memref<3136xi32, #tpu.memory_space<vmem>>, %arg8: memref<9408xf32, #tpu.memory_space<vmem>>, %arg9: memref<50176xi32, #tpu.memory_space<vmem_shared>>, %arg10: memref<150528xf32, #tpu.memory_space<vmem_shared>>, %arg11: memref<!tpu.dma_semaphore, #tpu.memory_space<semaphore_mem>>, %arg12: memref<!tpu.dma_semaphore, #tpu.memory_space<semaphore_mem>>) attributes {dimension_semantics = [#tpu.dimension_semantics<core_parallel>, #tpu.dimension_semantics<subcore_parallel>], iteration_bounds = array<i64: 1, 16>, scalar_prefetch = 0 : i64, scratch_operands = 8 : i64, tpu.core_type = #tpu.core_type<sc_vector_subcore>, window_params = [{transform_indices = #map}, {transform_indices = #map}, {transform_indices = #map}]} {
    %mul3A = arith.constant 3136 : i32
    %mul3A_0 = arith.muli %arg1, %mul3A : i32
    %mul3A_1 = arith.constant 9408 : i32
    %mul3A_2 = arith.muli %arg1, %mul3A_1 : i32
    %dma_start3A = tpu.memref_slice %arg3[%mul3A_2] : memref<150528xf32, #tpu.memory_space<hbm>> -> memref<9408xf32, #tpu.memory_space<hbm>>
    %dma_start3A_3 = tpu.memref_slice %arg3[%mul3A_2] : memref<150528xf32, #tpu.memory_space<hbm>> -> memref<9408xf32, #tpu.memory_space<hbm>>
    tpu.enqueue_dma source(%dma_start3A_3 : memref<9408xf32, #tpu.memory_space<hbm>>) target(%arg8 : memref<9408xf32, #tpu.memory_space<vmem>>) target_semaphore(%arg12 : memref<!tpu.dma_semaphore, #tpu.memory_space<semaphore_mem>>)
    "tpu.region"() ({
      %run_scoped3A = tpu.sem_alloc : memref<!tpu.dma_semaphore, #tpu.memory_space<semaphore_mem>>
      %dma_start3A_105 = tpu.memref_slice %arg2[%mul3A_0] : memref<50176xi32, #tpu.memory_space<hbm>> -> memref<3136xi32, #tpu.memory_space<hbm>>
      %dma_start3A_106 = tpu.memref_slice %arg2[%mul3A_0] : memref<50176xi32, #tpu.memory_space<hbm>> -> memref<3136xi32, #tpu.memory_space<hbm>>
      tpu.enqueue_dma source(%dma_start3A_106 : memref<3136xi32, #tpu.memory_space<hbm>>) target(%arg5 : memref<3136xi32, #tpu.memory_space<vmem>>) target_semaphore(%run_scoped3A : memref<!tpu.dma_semaphore, #tpu.memory_space<semaphore_mem>>)
      %dma_wait3A_107 = tpu.memref_slice %arg2[%mul3A_0] : memref<50176xi32, #tpu.memory_space<hbm>> -> memref<3136xi32, #tpu.memory_space<hbm>>
      %dma_wait3A_108 = tpu.memref_slice %arg2[%mul3A_0] : memref<50176xi32, #tpu.memory_space<hbm>> -> memref<3136xi32, #tpu.memory_space<hbm>>
      tpu.wait_dma2 semaphore(%run_scoped3A : memref<!tpu.dma_semaphore, #tpu.memory_space<semaphore_mem>>) src(%dma_wait3A_108 : memref<3136xi32, #tpu.memory_space<hbm>>) dst(%arg5 : memref<3136xi32, #tpu.memory_space<vmem>>)
      tpu.yield
    }) : () -> ()
    %iota3A = tpu.iota {dimensions = array<i32: 0>} : vector<16xi32>
    %scan3A = arith.constant 0 : i32
    %scan3A_4 = arith.constant 0 : i32
    %scan3A_5 = arith.constant 49 : i32
    %scan3A_6 = arith.addi %scan3A_4, %scan3A_5 : i32
    %scan3A_7 = arith.constant 1 : i32
    scf.for %scan3A_105 = %scan3A_4 to %scan3A_6 step %scan3A_7  : i32 {
      %mul3A_106 = arith.constant 4 : i32
      %mul3A_107 = arith.muli %mul3A_106, %scan3A_105 : i32
      %add3A_108 = arith.constant 0 : i32
      %add3A_109 = arith.addi %mul3A_107, %add3A_108 : i32
      %sub3A = arith.constant 195 : i32
      %sub3A_110 = arith.subi %sub3A, %add3A_109 : i32
      %mul3A_111 = arith.constant 16 : i32
      %mul3A_112 = arith.muli %sub3A_110, %mul3A_111 : i32
      %get3A = arith.index_cast %mul3A_112 : i32 to index
      %get3A_113 = tpu.vector_load %arg5[%get3A] {strides = array<i32>} : memref<3136xi32, #tpu.memory_space<vmem>>, vector<16xi32>,
      %add3A_114 = arith.addi %mul3A_0, %mul3A_112 : i32
      %and3A = arith.constant 1 : i32
      %and3A_115 = vector.broadcast %and3A : i32 to vector<16xi32>
      %and3A_116 = arith.andi %get3A_113, %and3A_115 : vector<16xi32>
      %eq3A = arith.constant 1 : i32
      %eq3A_117 = vector.broadcast %eq3A : i32 to vector<16xi32>
      %eq3A_118 = arith.cmpi eq, %and3A_116, %eq3A_117 : vector<16xi32>
      %shift_right_arithmetic3A = arith.constant 1 : i32
      %shift_right_arithmetic3A_119 = vector.broadcast %shift_right_arithmetic3A : i32 to vector<16xi32>
      %shift_right_arithmetic3A_120 = arith.shrsi %get3A_113, %shift_right_arithmetic3A_119 : vector<16xi32>
      %add3A_121 = vector.broadcast %add3A_114 : i32 to vector<16xi32>
      %add3A_122 = arith.addi %add3A_121, %iota3A : vector<16xi32>
      %add3A_123 = arith.constant 1 : i32
      %add3A_124 = vector.broadcast %add3A_123 : i32 to vector<16xi32>
      %add3A_125 = arith.addi %add3A_122, %add3A_124 : vector<16xi32>
      %ne3A = arith.cmpi ne, %shift_right_arithmetic3A_120, %add3A_125 : vector<16xi32>
      %or3A = arith.ori %eq3A_118, %ne3A : vector<16xi1>
      %ge3A = arith.constant 15 : i32
      %ge3A_126 = vector.broadcast %ge3A : i32 to vector<16xi32>
      %ge3A_127 = arith.cmpi sge, %iota3A, %ge3A_126 : vector<16xi32>
      %or3A_128 = arith.ori %or3A, %ge3A_127 : vector<16xi1>
      %sub3A_129 = arith.constant 16 : i32
      %sub3A_130 = vector.broadcast %sub3A_129 : i32 to vector<16xi32>
      %sub3A_131 = arith.subi %sub3A_130, %iota3A : vector<16xi32>
      %shift_left3A = arith.constant 17 : i32
      %shift_left3A_132 = vector.broadcast %shift_left3A : i32 to vector<16xi32>
      %shift_left3A_133 = arith.shli %sub3A_131, %shift_left3A_132 : vector<16xi32>
      %or3A_134 = arith.ori %shift_left3A_133, %get3A_113 : vector<16xi32>
      %select_n3A = arith.select %or3A_128, %or3A_134, %get3A_113 : vector<16xi1>, vector<16xi32>
      %rev3A = arith.constant 15 : i32
      %rev3A_135 = vector.broadcast %rev3A : i32 to vector<16xi32>
      %rev3A_136 = tpu.iota {dimensions = array<i32: 0>} : vector<16xi32>
      %rev3A_137 = arith.subi %rev3A_135, %rev3A_136 : vector<16xi32>
      %rev3A_138 = tpu.dynamic_gather %select_n3A[%rev3A_137] in [0] : vector<16xi32>, vector<16xi32> -> vector<16xi32>
      %broadcast_in_dim3A = arith.constant true
      %broadcast_in_dim3A_139 = vector.broadcast %broadcast_in_dim3A : i1 to vector<16xi1>
      %masked_cummax3A = arith.constant -2147483648 : i32
      %masked_cummax3A_140 = vector.broadcast %masked_cummax3A : i32 to vector<16xi32>
      %masked_cummax3A_141 = arith.xori %rev3A_138, %masked_cummax3A_140 : vector<16xi32>
      %masked_cummax3A_142 = tpu.scan <max>, %masked_cummax3A_141 masked %broadcast_in_dim3A_139 : vector<16xi32>, vector<16xi1> -> vector<16xi32>
      %masked_cummax3A_143 = arith.xori %masked_cummax3A_142, %masked_cummax3A_140 : vector<16xi32>
      %rev3A_144 = arith.constant 15 : i32
      %rev3A_145 = vector.broadcast %rev3A_144 : i32 to vector<16xi32>
      %rev3A_146 = tpu.iota {dimensions = array<i32: 0>} : vector<16xi32>
      %rev3A_147 = arith.subi %rev3A_145, %rev3A_146 : vector<16xi32>
      %rev3A_148 = tpu.dynamic_gather %masked_cummax3A_143[%rev3A_147] in [0] : vector<16xi32>, vector<16xi32> -> vector<16xi32>
      %and3A_149 = arith.constant 131071 : i32
      %and3A_150 = vector.broadcast %and3A_149 : i32 to vector<16xi32>
      %and3A_151 = arith.andi %rev3A_148, %and3A_150 : vector<16xi32>
      %shift_right_arithmetic3A_152 = arith.constant 1 : i32
      %shift_right_arithmetic3A_153 = vector.broadcast %shift_right_arithmetic3A_152 : i32 to vector<16xi32>
      %shift_right_arithmetic3A_154 = arith.shrsi %and3A_151, %shift_right_arithmetic3A_153 : vector<16xi32>
      %sub3A_155 = vector.broadcast %mul3A_0 : i32 to vector<16xi32>
      %sub3A_156 = arith.subi %shift_right_arithmetic3A_154, %sub3A_155 : vector<16xi32>
      %ge3A_157 = arith.constant 0 : i32
      %ge3A_158 = vector.broadcast %ge3A_157 : i32 to vector<16xi32>
      %ge3A_159 = arith.cmpi sge, %sub3A_156, %ge3A_158 : vector<16xi32>
      %lt3A = arith.constant 3136 : i32
      %lt3A_160 = vector.broadcast %lt3A : i32 to vector<16xi32>
      %lt3A_161 = arith.cmpi slt, %sub3A_156, %lt3A_160 : vector<16xi32>
      %and3A_162 = arith.andi %ge3A_159, %lt3A_161 : vector<16xi1>
      %and3A_163 = arith.constant 1 : i32
      %and3A_164 = vector.broadcast %and3A_163 : i32 to vector<16xi32>
      %and3A_165 = arith.andi %and3A_151, %and3A_164 : vector<16xi32>
      %eq3A_166 = arith.constant 0 : i32
      %eq3A_167 = vector.broadcast %eq3A_166 : i32 to vector<16xi32>
      %eq3A_168 = arith.cmpi eq, %and3A_165, %eq3A_167 : vector<16xi32>
      %and3A_169 = arith.andi %and3A_162, %eq3A_168 : vector<16xi1>
      %jit3A = arith.constant 0 : i32
      %jit3A_170 = arith.constant 3135 : i32
      %max3A = vector.broadcast %jit3A : i32 to vector<16xi32>
      %max3A_171 = arith.maxsi %max3A, %sub3A_156 : vector<16xi32>
      %min3A = vector.broadcast %jit3A_170 : i32 to vector<16xi32>
      %min3A_172 = arith.minsi %min3A, %max3A_171 : vector<16xi32>
      %gather3A = tpu.vector_load_idx %arg5[%min3A_172] : memref<3136xi32, #tpu.memory_space<vmem>>[vector<16xi32>], vector<16xi32>,
      %select_n3A_173 = arith.select %and3A_169, %gather3A, %and3A_151 : vector<16xi1>, vector<16xi32>
      %swap3A = arith.index_cast %mul3A_112 : i32 to index
      %swap3A_174 = tpu.vector_load %arg5[%swap3A] {strides = array<i32>} : memref<3136xi32, #tpu.memory_space<vmem>>, vector<16xi32>,
      tpu.vector_store %arg5[%swap3A], %select_n3A_173 {strides = array<i32>} : memref<3136xi32, #tpu.memory_space<vmem>>, vector<16xi32>,
      %shift_right_arithmetic3A_175 = arith.constant 1 : i32
      %shift_right_arithmetic3A_176 = vector.broadcast %shift_right_arithmetic3A_175 : i32 to vector<16xi32>
      %shift_right_arithmetic3A_177 = arith.shrsi %select_n3A_173, %shift_right_arithmetic3A_176 : vector<16xi32>
      %swap3A_178 = arith.index_cast %mul3A_112 : i32 to index
      %swap3A_179 = tpu.vector_load %arg6[%swap3A_178] {strides = array<i32>} : memref<3136xi32, #tpu.memory_space<vmem>>, vector<16xi32>,
      tpu.vector_store %arg6[%swap3A_178], %shift_right_arithmetic3A_177 {strides = array<i32>} : memref<3136xi32, #tpu.memory_space<vmem>>, vector<16xi32>,
      %mul3A_180 = arith.constant 4 : i32
      %mul3A_181 = arith.muli %mul3A_180, %scan3A_105 : i32
      %add3A_182 = arith.constant 1 : i32
      %add3A_183 = arith.addi %mul3A_181, %add3A_182 : i32
      %sub3A_184 = arith.constant 195 : i32
      %sub3A_185 = arith.subi %sub3A_184, %add3A_183 : i32
      %mul3A_186 = arith.constant 16 : i32
      %mul3A_187 = arith.muli %sub3A_185, %mul3A_186 : i32
      %get3A_188 = arith.index_cast %mul3A_187 : i32 to index
      %get3A_189 = tpu.vector_load %arg5[%get3A_188] {strides = array<i32>} : memref<3136xi32, #tpu.memory_space<vmem>>, vector<16xi32>,
      %add3A_190 = arith.addi %mul3A_0, %mul3A_187 : i32
      %and3A_191 = arith.constant 1 : i32
      %and3A_192 = vector.broadcast %and3A_191 : i32 to vector<16xi32>
      %and3A_193 = arith.andi %get3A_189, %and3A_192 : vector<16xi32>
      %eq3A_194 = arith.constant 1 : i32
      %eq3A_195 = vector.broadcast %eq3A_194 : i32 to vector<16xi32>
      %eq3A_196 = arith.cmpi eq, %and3A_193, %eq3A_195 : vector<16xi32>
      %shift_right_arithmetic3A_197 = arith.constant 1 : i32
      %shift_right_arithmetic3A_198 = vector.broadcast %shift_right_arithmetic3A_197 : i32 to vector<16xi32>
      %shift_right_arithmetic3A_199 = arith.shrsi %get3A_189, %shift_right_arithmetic3A_198 : vector<16xi32>
      %add3A_200 = vector.broadcast %add3A_190 : i32 to vector<16xi32>
      %add3A_201 = arith.addi %add3A_200, %iota3A : vector<16xi32>
      %add3A_202 = arith.constant 1 : i32
      %add3A_203 = vector.broadcast %add3A_202 : i32 to vector<16xi32>
      %add3A_204 = arith.addi %add3A_201, %add3A_203 : vector<16xi32>
      %ne3A_205 = arith.cmpi ne, %shift_right_arithmetic3A_199, %add3A_204 : vector<16xi32>
      %or3A_206 = arith.ori %eq3A_196, %ne3A_205 : vector<16xi1>
      %ge3A_207 = arith.constant 15 : i32
      %ge3A_208 = vector.broadcast %ge3A_207 : i32 to vector<16xi32>
      %ge3A_209 = arith.cmpi sge, %iota3A, %ge3A_208 : vector<16xi32>
      %or3A_210 = arith.ori %or3A_206, %ge3A_209 : vector<16xi1>
      %sub3A_211 = arith.constant 16 : i32
      %sub3A_212 = vector.broadcast %sub3A_211 : i32 to vector<16xi32>
      %sub3A_213 = arith.subi %sub3A_212, %iota3A : vector<16xi32>
      %shift_left3A_214 = arith.constant 17 : i32
      %shift_left3A_215 = vector.broadcast %shift_left3A_214 : i32 to vector<16xi32>
      %shift_left3A_216 = arith.shli %sub3A_213, %shift_left3A_215 : vector<16xi32>
      %or3A_217 = arith.ori %shift_left3A_216, %get3A_189 : vector<16xi32>
      %select_n3A_218 = arith.select %or3A_210, %or3A_217, %get3A_189 : vector<16xi1>, vector<16xi32>
      %rev3A_219 = arith.constant 15 : i32
      %rev3A_220 = vector.broadcast %rev3A_219 : i32 to vector<16xi32>
      %rev3A_221 = tpu.iota {dimensions = array<i32: 0>} : vector<16xi32>
      %rev3A_222 = arith.subi %rev3A_220, %rev3A_221 : vector<16xi32>
      %rev3A_223 = tpu.dynamic_gather %select_n3A_218[%rev3A_222] in [0] : vector<16xi32>, vector<16xi32> -> vector<16xi32>
      %broadcast_in_dim3A_224 = arith.constant true
      %broadcast_in_dim3A_225 = vector.broadcast %broadcast_in_dim3A_224 : i1 to vector<16xi1>
      %masked_cummax3A_226 = arith.constant -2147483648 : i32
      %masked_cummax3A_227 = vector.broadcast %masked_cummax3A_226 : i32 to vector<16xi32>
      %masked_cummax3A_228 = arith.xori %rev3A_223, %masked_cummax3A_227 : vector<16xi32>
      %masked_cummax3A_229 = tpu.scan <max>, %masked_cummax3A_228 masked %broadcast_in_dim3A_225 : vector<16xi32>, vector<16xi1> -> vector<16xi32>
      %masked_cummax3A_230 = arith.xori %masked_cummax3A_229, %masked_cummax3A_227 : vector<16xi32>
      %rev3A_231 = arith.constant 15 : i32
      %rev3A_232 = vector.broadcast %rev3A_231 : i32 to vector<16xi32>
      %rev3A_233 = tpu.iota {dimensions = array<i32: 0>} : vector<16xi32>
      %rev3A_234 = arith.subi %rev3A_232, %rev3A_233 : vector<16xi32>
      %rev3A_235 = tpu.dynamic_gather %masked_cummax3A_230[%rev3A_234] in [0] : vector<16xi32>, vector<16xi32> -> vector<16xi32>
      %and3A_236 = arith.constant 131071 : i32
      %and3A_237 = vector.broadcast %and3A_236 : i32 to vector<16xi32>
      %and3A_238 = arith.andi %rev3A_235, %and3A_237 : vector<16xi32>
      %shift_right_arithmetic3A_239 = arith.constant 1 : i32
      %shift_right_arithmetic3A_240 = vector.broadcast %shift_right_arithmetic3A_239 : i32 to vector<16xi32>
      %shift_right_arithmetic3A_241 = arith.shrsi %and3A_238, %shift_right_arithmetic3A_240 : vector<16xi32>
      %sub3A_242 = vector.broadcast %mul3A_0 : i32 to vector<16xi32>
      %sub3A_243 = arith.subi %shift_right_arithmetic3A_241, %sub3A_242 : vector<16xi32>
      %ge3A_244 = arith.constant 0 : i32
      %ge3A_245 = vector.broadcast %ge3A_244 : i32 to vector<16xi32>
      %ge3A_246 = arith.cmpi sge, %sub3A_243, %ge3A_245 : vector<16xi32>
      %lt3A_247 = arith.constant 3136 : i32
      %lt3A_248 = vector.broadcast %lt3A_247 : i32 to vector<16xi32>
      %lt3A_249 = arith.cmpi slt, %sub3A_243, %lt3A_248 : vector<16xi32>
      %and3A_250 = arith.andi %ge3A_246, %lt3A_249 : vector<16xi1>
      %and3A_251 = arith.constant 1 : i32
      %and3A_252 = vector.broadcast %and3A_251 : i32 to vector<16xi32>
      %and3A_253 = arith.andi %and3A_238, %and3A_252 : vector<16xi32>
      %eq3A_254 = arith.constant 0 : i32
      %eq3A_255 = vector.broadcast %eq3A_254 : i32 to vector<16xi32>
      %eq3A_256 = arith.cmpi eq, %and3A_253, %eq3A_255 : vector<16xi32>
      %and3A_257 = arith.andi %and3A_250, %eq3A_256 : vector<16xi1>
      %jit3A_258 = arith.constant 0 : i32
      %jit3A_259 = arith.constant 3135 : i32
      %max3A_260 = vector.broadcast %jit3A_258 : i32 to vector<16xi32>
      %max3A_261 = arith.maxsi %max3A_260, %sub3A_243 : vector<16xi32>
      %min3A_262 = vector.broadcast %jit3A_259 : i32 to vector<16xi32>
      %min3A_263 = arith.minsi %min3A_262, %max3A_261 : vector<16xi32>
      %gather3A_264 = tpu.vector_load_idx %arg5[%min3A_263] : memref<3136xi32, #tpu.memory_space<vmem>>[vector<16xi32>], vector<16xi32>,
      %select_n3A_265 = arith.select %and3A_257, %gather3A_264, %and3A_238 : vector<16xi1>, vector<16xi32>
      %swap3A_266 = arith.index_cast %mul3A_187 : i32 to index
      %swap3A_267 = tpu.vector_load %arg5[%swap3A_266] {strides = array<i32>} : memref<3136xi32, #tpu.memory_space<vmem>>, vector<16xi32>,
      tpu.vector_store %arg5[%swap3A_266], %select_n3A_265 {strides = array<i32>} : memref<3136xi32, #tpu.memory_space<vmem>>, vector<16xi32>,
      %shift_right_arithmetic3A_268 = arith.constant 1 : i32
      %shift_right_arithmetic3A_269 = vector.broadcast %shift_right_arithmetic3A_268 : i32 to vector<16xi32>
      %shift_right_arithmetic3A_270 = arith.shrsi %select_n3A_265, %shift_right_arithmetic3A_269 : vector<16xi32>
      %swap3A_271 = arith.index_cast %mul3A_187 : i32 to index
      %swap3A_272 = tpu.vector_load %arg6[%swap3A_271] {strides = array<i32>} : memref<3136xi32, #tpu.memory_space<vmem>>, vector<16xi32>,
      tpu.vector_store %arg6[%swap3A_271], %shift_right_arithmetic3A_270 {strides = array<i32>} : memref<3136xi32, #tpu.memory_space<vmem>>, vector<16xi32>,
      %mul3A_273 = arith.constant 4 : i32
      %mul3A_274 = arith.muli %mul3A_273, %scan3A_105 : i32
      %add3A_275 = arith.constant 2 : i32
      %add3A_276 = arith.addi %mul3A_274, %add3A_275 : i32
      %sub3A_277 = arith.constant 195 : i32
      %sub3A_278 = arith.subi %sub3A_277, %add3A_276 : i32
      %mul3A_279 = arith.constant 16 : i32
      %mul3A_280 = arith.muli %sub3A_278, %mul3A_279 : i32
      %get3A_281 = arith.index_cast %mul3A_280 : i32 to index
      %get3A_282 = tpu.vector_load %arg5[%get3A_281] {strides = array<i32>} : memref<3136xi32, #tpu.memory_space<vmem>>, vector<16xi32>,
      %add3A_283 = arith.addi %mul3A_0, %mul3A_280 : i32
      %and3A_284 = arith.constant 1 : i32
      %and3A_285 = vector.broadcast %and3A_284 : i32 to vector<16xi32>
      %and3A_286 = arith.andi %get3A_282, %and3A_285 : vector<16xi32>
      %eq3A_287 = arith.constant 1 : i32
      %eq3A_288 = vector.broadcast %eq3A_287 : i32 to vector<16xi32>
      %eq3A_289 = arith.cmpi eq, %and3A_286, %eq3A_288 : vector<16xi32>
      %shift_right_arithmetic3A_290 = arith.constant 1 : i32
      %shift_right_arithmetic3A_291 = vector.broadcast %shift_right_arithmetic3A_290 : i32 to vector<16xi32>
      %shift_right_arithmetic3A_292 = arith.shrsi %get3A_282, %shift_right_arithmetic3A_291 : vector<16xi32>
      %add3A_293 = vector.broadcast %add3A_283 : i32 to vector<16xi32>
      %add3A_294 = arith.addi %add3A_293, %iota3A : vector<16xi32>
      %add3A_295 = arith.constant 1 : i32
      %add3A_296 = vector.broadcast %add3A_295 : i32 to vector<16xi32>
      %add3A_297 = arith.addi %add3A_294, %add3A_296 : vector<16xi32>
      %ne3A_298 = arith.cmpi ne, %shift_right_arithmetic3A_292, %add3A_297 : vector<16xi32>
      %or3A_299 = arith.ori %eq3A_289, %ne3A_298 : vector<16xi1>
      %ge3A_300 = arith.constant 15 : i32
      %ge3A_301 = vector.broadcast %ge3A_300 : i32 to vector<16xi32>
      %ge3A_302 = arith.cmpi sge, %iota3A, %ge3A_301 : vector<16xi32>
      %or3A_303 = arith.ori %or3A_299, %ge3A_302 : vector<16xi1>
      %sub3A_304 = arith.constant 16 : i32
      %sub3A_305 = vector.broadcast %sub3A_304 : i32 to vector<16xi32>
      %sub3A_306 = arith.subi %sub3A_305, %iota3A : vector<16xi32>
      %shift_left3A_307 = arith.constant 17 : i32
      %shift_left3A_308 = vector.broadcast %shift_left3A_307 : i32 to vector<16xi32>
      %shift_left3A_309 = arith.shli %sub3A_306, %shift_left3A_308 : vector<16xi32>
      %or3A_310 = arith.ori %shift_left3A_309, %get3A_282 : vector<16xi32>
      %select_n3A_311 = arith.select %or3A_303, %or3A_310, %get3A_282 : vector<16xi1>, vector<16xi32>
      %rev3A_312 = arith.constant 15 : i32
      %rev3A_313 = vector.broadcast %rev3A_312 : i32 to vector<16xi32>
      %rev3A_314 = tpu.iota {dimensions = array<i32: 0>} : vector<16xi32>
      %rev3A_315 = arith.subi %rev3A_313, %rev3A_314 : vector<16xi32>
      %rev3A_316 = tpu.dynamic_gather %select_n3A_311[%rev3A_315] in [0] : vector<16xi32>, vector<16xi32> -> vector<16xi32>
      %broadcast_in_dim3A_317 = arith.constant true
      %broadcast_in_dim3A_318 = vector.broadcast %broadcast_in_dim3A_317 : i1 to vector<16xi1>
      %masked_cummax3A_319 = arith.constant -2147483648 : i32
      %masked_cummax3A_320 = vector.broadcast %masked_cummax3A_319 : i32 to vector<16xi32>
      %masked_cummax3A_321 = arith.xori %rev3A_316, %masked_cummax3A_320 : vector<16xi32>
      %masked_cummax3A_322 = tpu.scan <max>, %masked_cummax3A_321 masked %broadcast_in_dim3A_318 : vector<16xi32>, vector<16xi1> -> vector<16xi32>
      %masked_cummax3A_323 = arith.xori %masked_cummax3A_322, %masked_cummax3A_320 : vector<16xi32>
      %rev3A_324 = arith.constant 15 : i32
      %rev3A_325 = vector.broadcast %rev3A_324 : i32 to vector<16xi32>
      %rev3A_326 = tpu.iota {dimensions = array<i32: 0>} : vector<16xi32>
      %rev3A_327 = arith.subi %rev3A_325, %rev3A_326 : vector<16xi32>
      %rev3A_328 = tpu.dynamic_gather %masked_cummax3A_323[%rev3A_327] in [0] : vector<16xi32>, vector<16xi32> -> vector<16xi32>
      %and3A_329 = arith.constant 131071 : i32
      %and3A_330 = vector.broadcast %and3A_329 : i32 to vector<16xi32>
      %and3A_331 = arith.andi %rev3A_328, %and3A_330 : vector<16xi32>
      %shift_right_arithmetic3A_332 = arith.constant 1 : i32
      %shift_right_arithmetic3A_333 = vector.broadcast %shift_right_arithmetic3A_332 : i32 to vector<16xi32>
      %shift_right_arithmetic3A_334 = arith.shrsi %and3A_331, %shift_right_arithmetic3A_333 : vector<16xi32>
      %sub3A_335 = vector.broadcast %mul3A_0 : i32 to vector<16xi32>
      %sub3A_336 = arith.subi %shift_right_arithmetic3A_334, %sub3A_335 : vector<16xi32>
      %ge3A_337 = arith.constant 0 : i32
      %ge3A_338 = vector.broadcast %ge3A_337 : i32 to vector<16xi32>
      %ge3A_339 = arith.cmpi sge, %sub3A_336, %ge3A_338 : vector<16xi32>
      %lt3A_340 = arith.constant 3136 : i32
      %lt3A_341 = vector.broadcast %lt3A_340 : i32 to vector<16xi32>
      %lt3A_342 = arith.cmpi slt, %sub3A_336, %lt3A_341 : vector<16xi32>
      %and3A_343 = arith.andi %ge3A_339, %lt3A_342 : vector<16xi1>
      %and3A_344 = arith.constant 1 : i32
      %and3A_345 = vector.broadcast %and3A_344 : i32 to vector<16xi32>
      %and3A_346 = arith.andi %and3A_331, %and3A_345 : vector<16xi32>
      %eq3A_347 = arith.constant 0 : i32
      %eq3A_348 = vector.broadcast %eq3A_347 : i32 to vector<16xi32>
      %eq3A_349 = arith.cmpi eq, %and3A_346, %eq3A_348 : vector<16xi32>
      %and3A_350 = arith.andi %and3A_343, %eq3A_349 : vector<16xi1>
      %jit3A_351 = arith.constant 0 : i32
      %jit3A_352 = arith.constant 3135 : i32
      %max3A_353 = vector.broadcast %jit3A_351 : i32 to vector<16xi32>
      %max3A_354 = arith.maxsi %max3A_353, %sub3A_336 : vector<16xi32>
      %min3A_355 = vector.broadcast %jit3A_352 : i32 to vector<16xi32>
      %min3A_356 = arith.minsi %min3A_355, %max3A_354 : vector<16xi32>
      %gather3A_357 = tpu.vector_load_idx %arg5[%min3A_356] : memref<3136xi32, #tpu.memory_space<vmem>>[vector<16xi32>], vector<16xi32>,
      %select_n3A_358 = arith.select %and3A_350, %gather3A_357, %and3A_331 : vector<16xi1>, vector<16xi32>
      %swap3A_359 = arith.index_cast %mul3A_280 : i32 to index
      %swap3A_360 = tpu.vector_load %arg5[%swap3A_359] {strides = array<i32>} : memref<3136xi32, #tpu.memory_space<vmem>>, vector<16xi32>,
      tpu.vector_store %arg5[%swap3A_359], %select_n3A_358 {strides = array<i32>} : memref<3136xi32, #tpu.memory_space<vmem>>, vector<16xi32>,
      %shift_right_arithmetic3A_361 = arith.constant 1 : i32
      %shift_right_arithmetic3A_362 = vector.broadcast %shift_right_arithmetic3A_361 : i32 to vector<16xi32>
      %shift_right_arithmetic3A_363 = arith.shrsi %select_n3A_358, %shift_right_arithmetic3A_362 : vector<16xi32>
      %swap3A_364 = arith.index_cast %mul3A_280 : i32 to index
      %swap3A_365 = tpu.vector_load %arg6[%swap3A_364] {strides = array<i32>} : memref<3136xi32, #tpu.memory_space<vmem>>, vector<16xi32>,
      tpu.vector_store %arg6[%swap3A_364], %shift_right_arithmetic3A_363 {strides = array<i32>} : memref<3136xi32, #tpu.memory_space<vmem>>, vector<16xi32>,
      %mul3A_366 = arith.constant 4 : i32
      %mul3A_367 = arith.muli %mul3A_366, %scan3A_105 : i32
      %add3A_368 = arith.constant 3 : i32
      %add3A_369 = arith.addi %mul3A_367, %add3A_368 : i32
      %sub3A_370 = arith.constant 195 : i32
      %sub3A_371 = arith.subi %sub3A_370, %add3A_369 : i32
      %mul3A_372 = arith.constant 16 : i32
      %mul3A_373 = arith.muli %sub3A_371, %mul3A_372 : i32
      %get3A_374 = arith.index_cast %mul3A_373 : i32 to index
      %get3A_375 = tpu.vector_load %arg5[%get3A_374] {strides = array<i32>} : memref<3136xi32, #tpu.memory_space<vmem>>, vector<16xi32>,
      %add3A_376 = arith.addi %mul3A_0, %mul3A_373 : i32
      %and3A_377 = arith.constant 1 : i32
      %and3A_378 = vector.broadcast %and3A_377 : i32 to vector<16xi32>
      %and3A_379 = arith.andi %get3A_375, %and3A_378 : vector<16xi32>
      %eq3A_380 = arith.constant 1 : i32
      %eq3A_381 = vector.broadcast %eq3A_380 : i32 to vector<16xi32>
      %eq3A_382 = arith.cmpi eq, %and3A_379, %eq3A_381 : vector<16xi32>
      %shift_right_arithmetic3A_383 = arith.constant 1 : i32
      %shift_right_arithmetic3A_384 = vector.broadcast %shift_right_arithmetic3A_383 : i32 to vector<16xi32>
      %shift_right_arithmetic3A_385 = arith.shrsi %get3A_375, %shift_right_arithmetic3A_384 : vector<16xi32>
      %add3A_386 = vector.broadcast %add3A_376 : i32 to vector<16xi32>
      %add3A_387 = arith.addi %add3A_386, %iota3A : vector<16xi32>
      %add3A_388 = arith.constant 1 : i32
      %add3A_389 = vector.broadcast %add3A_388 : i32 to vector<16xi32>
      %add3A_390 = arith.addi %add3A_387, %add3A_389 : vector<16xi32>
      %ne3A_391 = arith.cmpi ne, %shift_right_arithmetic3A_385, %add3A_390 : vector<16xi32>
      %or3A_392 = arith.ori %eq3A_382, %ne3A_391 : vector<16xi1>
      %ge3A_393 = arith.constant 15 : i32
      %ge3A_394 = vector.broadcast %ge3A_393 : i32 to vector<16xi32>
      %ge3A_395 = arith.cmpi sge, %iota3A, %ge3A_394 : vector<16xi32>
      %or3A_396 = arith.ori %or3A_392, %ge3A_395 : vector<16xi1>
      %sub3A_397 = arith.constant 16 : i32
      %sub3A_398 = vector.broadcast %sub3A_397 : i32 to vector<16xi32>
      %sub3A_399 = arith.subi %sub3A_398, %iota3A : vector<16xi32>
      %shift_left3A_400 = arith.constant 17 : i32
      %shift_left3A_401 = vector.broadcast %shift_left3A_400 : i32 to vector<16xi32>
      %shift_left3A_402 = arith.shli %sub3A_399, %shift_left3A_401 : vector<16xi32>
      %or3A_403 = arith.ori %shift_left3A_402, %get3A_375 : vector<16xi32>
      %select_n3A_404 = arith.select %or3A_396, %or3A_403, %get3A_375 : vector<16xi1>, vector<16xi32>
      %rev3A_405 = arith.constant 15 : i32
      %rev3A_406 = vector.broadcast %rev3A_405 : i32 to vector<16xi32>
      %rev3A_407 = tpu.iota {dimensions = array<i32: 0>} : vector<16xi32>
      %rev3A_408 = arith.subi %rev3A_406, %rev3A_407 : vector<16xi32>
      %rev3A_409 = tpu.dynamic_gather %select_n3A_404[%rev3A_408] in [0] : vector<16xi32>, vector<16xi32> -> vector<16xi32>
      %broadcast_in_dim3A_410 = arith.constant true
      %broadcast_in_dim3A_411 = vector.broadcast %broadcast_in_dim3A_410 : i1 to vector<16xi1>
      %masked_cummax3A_412 = arith.constant -2147483648 : i32
      %masked_cummax3A_413 = vector.broadcast %masked_cummax3A_412 : i32 to vector<16xi32>
      %masked_cummax3A_414 = arith.xori %rev3A_409, %masked_cummax3A_413 : vector<16xi32>
      %masked_cummax3A_415 = tpu.scan <max>, %masked_cummax3A_414 masked %broadcast_in_dim3A_411 : vector<16xi32>, vector<16xi1> -> vector<16xi32>
      %masked_cummax3A_416 = arith.xori %masked_cummax3A_415, %masked_cummax3A_413 : vector<16xi32>
      %rev3A_417 = arith.constant 15 : i32
      %rev3A_418 = vector.broadcast %rev3A_417 : i32 to vector<16xi32>
      %rev3A_419 = tpu.iota {dimensions = array<i32: 0>} : vector<16xi32>
      %rev3A_420 = arith.subi %rev3A_418, %rev3A_419 : vector<16xi32>
      %rev3A_421 = tpu.dynamic_gather %masked_cummax3A_416[%rev3A_420] in [0] : vector<16xi32>, vector<16xi32> -> vector<16xi32>
      %and3A_422 = arith.constant 131071 : i32
      %and3A_423 = vector.broadcast %and3A_422 : i32 to vector<16xi32>
      %and3A_424 = arith.andi %rev3A_421, %and3A_423 : vector<16xi32>
      %shift_right_arithmetic3A_425 = arith.constant 1 : i32
      %shift_right_arithmetic3A_426 = vector.broadcast %shift_right_arithmetic3A_425 : i32 to vector<16xi32>
      %shift_right_arithmetic3A_427 = arith.shrsi %and3A_424, %shift_right_arithmetic3A_426 : vector<16xi32>
      %sub3A_428 = vector.broadcast %mul3A_0 : i32 to vector<16xi32>
      %sub3A_429 = arith.subi %shift_right_arithmetic3A_427, %sub3A_428 : vector<16xi32>
      %ge3A_430 = arith.constant 0 : i32
      %ge3A_431 = vector.broadcast %ge3A_430 : i32 to vector<16xi32>
      %ge3A_432 = arith.cmpi sge, %sub3A_429, %ge3A_431 : vector<16xi32>
      %lt3A_433 = arith.constant 3136 : i32
      %lt3A_434 = vector.broadcast %lt3A_433 : i32 to vector<16xi32>
      %lt3A_435 = arith.cmpi slt, %sub3A_429, %lt3A_434 : vector<16xi32>
      %and3A_436 = arith.andi %ge3A_432, %lt3A_435 : vector<16xi1>
      %and3A_437 = arith.constant 1 : i32
      %and3A_438 = vector.broadcast %and3A_437 : i32 to vector<16xi32>
      %and3A_439 = arith.andi %and3A_424, %and3A_438 : vector<16xi32>
      %eq3A_440 = arith.constant 0 : i32
      %eq3A_441 = vector.broadcast %eq3A_440 : i32 to vector<16xi32>
      %eq3A_442 = arith.cmpi eq, %and3A_439, %eq3A_441 : vector<16xi32>
      %and3A_443 = arith.andi %and3A_436, %eq3A_442 : vector<16xi1>
      %jit3A_444 = arith.constant 0 : i32
      %jit3A_445 = arith.constant 3135 : i32
      %max3A_446 = vector.broadcast %jit3A_444 : i32 to vector<16xi32>
      %max3A_447 = arith.maxsi %max3A_446, %sub3A_429 : vector<16xi32>
      %min3A_448 = vector.broadcast %jit3A_445 : i32 to vector<16xi32>
      %min3A_449 = arith.minsi %min3A_448, %max3A_447 : vector<16xi32>
      %gather3A_450 = tpu.vector_load_idx %arg5[%min3A_449] : memref<3136xi32, #tpu.memory_space<vmem>>[vector<16xi32>], vector<16xi32>,
      %select_n3A_451 = arith.select %and3A_443, %gather3A_450, %and3A_424 : vector<16xi1>, vector<16xi32>
      %swap3A_452 = arith.index_cast %mul3A_373 : i32 to index
      %swap3A_453 = tpu.vector_load %arg5[%swap3A_452] {strides = array<i32>} : memref<3136xi32, #tpu.memory_space<vmem>>, vector<16xi32>,
      tpu.vector_store %arg5[%swap3A_452], %select_n3A_451 {strides = array<i32>} : memref<3136xi32, #tpu.memory_space<vmem>>, vector<16xi32>,
      %shift_right_arithmetic3A_454 = arith.constant 1 : i32
      %shift_right_arithmetic3A_455 = vector.broadcast %shift_right_arithmetic3A_454 : i32 to vector<16xi32>
      %shift_right_arithmetic3A_456 = arith.shrsi %select_n3A_451, %shift_right_arithmetic3A_455 : vector<16xi32>
      %swap3A_457 = arith.index_cast %mul3A_373 : i32 to index
      %swap3A_458 = tpu.vector_load %arg6[%swap3A_457] {strides = array<i32>} : memref<3136xi32, #tpu.memory_space<vmem>>, vector<16xi32>,
      tpu.vector_store %arg6[%swap3A_457], %shift_right_arithmetic3A_456 {strides = array<i32>} : memref<3136xi32, #tpu.memory_space<vmem>>, vector<16xi32>,
    }
    %scan3A_8 = arith.constant 49 : i32
    %dma_wait3A = tpu.memref_slice %arg3[%mul3A_2] : memref<150528xf32, #tpu.memory_space<hbm>> -> memref<9408xf32, #tpu.memory_space<hbm>>
    %dma_wait3A_9 = tpu.memref_slice %arg3[%mul3A_2] : memref<150528xf32, #tpu.memory_space<hbm>> -> memref<9408xf32, #tpu.memory_space<hbm>>
    tpu.wait_dma2 semaphore(%arg12 : memref<!tpu.dma_semaphore, #tpu.memory_space<semaphore_mem>>) src(%dma_wait3A_9 : memref<9408xf32, #tpu.memory_space<hbm>>) dst(%arg8 : memref<9408xf32, #tpu.memory_space<vmem>>)
    %mul3A_10 = arith.constant 9408 : i32
    %mul3A_11 = arith.muli %arg1, %mul3A_10 : i32
    "tpu.region"() ({
      %run_scoped3A = tpu.sem_alloc : memref<!tpu.dma_semaphore, #tpu.memory_space<semaphore_mem>>
      %dma_start3A_105 = tpu.memref_slice %arg10[%mul3A_11] : memref<150528xf32, #tpu.memory_space<vmem_shared>> -> memref<9408xf32, #tpu.memory_space<vmem_shared>>
      %dma_start3A_106 = tpu.memref_slice %arg10[%mul3A_11] : memref<150528xf32, #tpu.memory_space<vmem_shared>> -> memref<9408xf32, #tpu.memory_space<vmem_shared>>
      tpu.enqueue_dma source(%arg8 : memref<9408xf32, #tpu.memory_space<vmem>>) target(%dma_start3A_106 : memref<9408xf32, #tpu.memory_space<vmem_shared>>) target_semaphore(%run_scoped3A : memref<!tpu.dma_semaphore, #tpu.memory_space<semaphore_mem>>)
      %dma_wait3A_107 = tpu.memref_slice %arg10[%mul3A_11] : memref<150528xf32, #tpu.memory_space<vmem_shared>> -> memref<9408xf32, #tpu.memory_space<vmem_shared>>
      %dma_wait3A_108 = tpu.memref_slice %arg10[%mul3A_11] : memref<150528xf32, #tpu.memory_space<vmem_shared>> -> memref<9408xf32, #tpu.memory_space<vmem_shared>>
      tpu.wait_dma2 semaphore(%run_scoped3A : memref<!tpu.dma_semaphore, #tpu.memory_space<semaphore_mem>>) src(%arg8 : memref<9408xf32, #tpu.memory_space<vmem>>) dst(%dma_wait3A_108 : memref<9408xf32, #tpu.memory_space<vmem_shared>>)
      tpu.yield
    }) : () -> ()
    "tpu.region"() ({
      %run_scoped3A = tpu.sem_alloc : memref<!tpu.dma_semaphore, #tpu.memory_space<semaphore_mem>>
      %dma_start3A_105 = tpu.memref_slice %arg9[%mul3A_0] : memref<50176xi32, #tpu.memory_space<vmem_shared>> -> memref<3136xi32, #tpu.memory_space<vmem_shared>>
      %dma_start3A_106 = tpu.memref_slice %arg9[%mul3A_0] : memref<50176xi32, #tpu.memory_space<vmem_shared>> -> memref<3136xi32, #tpu.memory_space<vmem_shared>>
      tpu.enqueue_dma source(%arg5 : memref<3136xi32, #tpu.memory_space<vmem>>) target(%dma_start3A_106 : memref<3136xi32, #tpu.memory_space<vmem_shared>>) target_semaphore(%run_scoped3A : memref<!tpu.dma_semaphore, #tpu.memory_space<semaphore_mem>>)
      %dma_wait3A_107 = tpu.memref_slice %arg9[%mul3A_0] : memref<50176xi32, #tpu.memory_space<vmem_shared>> -> memref<3136xi32, #tpu.memory_space<vmem_shared>>
      %dma_wait3A_108 = tpu.memref_slice %arg9[%mul3A_0] : memref<50176xi32, #tpu.memory_space<vmem_shared>> -> memref<3136xi32, #tpu.memory_space<vmem_shared>>
      tpu.wait_dma2 semaphore(%run_scoped3A : memref<!tpu.dma_semaphore, #tpu.memory_space<semaphore_mem>>) src(%arg5 : memref<3136xi32, #tpu.memory_space<vmem>>) dst(%dma_wait3A_108 : memref<3136xi32, #tpu.memory_space<vmem_shared>>)
      tpu.yield
    }) : () -> ()
    %barrier3A = arith.constant 0 : index
    tpu.barrier barrier_id(%barrier3A)
    %scan3A_12 = arith.constant 0 : i32
    %scan3A_13 = arith.constant 0 : i32
    %scan3A_14 = arith.constant 3 : i32
    %scan3A_15 = arith.addi %scan3A_13, %scan3A_14 : i32
    %scan3A_16 = arith.constant 1 : i32
    scf.for %scan3A_105 = %scan3A_13 to %scan3A_15 step %scan3A_16  : i32 {
      %dma_start3A_106 = arith.constant 0 : i32
      %dma_start3A_107 = tpu.memref_slice %arg9[%dma_start3A_106] : memref<50176xi32, #tpu.memory_space<vmem_shared>> -> memref<50176xi32, #tpu.memory_space<vmem_shared>>
      tpu.enqueue_indirect_dma source(%dma_start3A_107 : memref<50176xi32, #tpu.memory_space<vmem_shared>>) target(%arg7 : memref<3136xi32, #tpu.memory_space<vmem>>) offsets(%arg6 : memref<3136xi32, #tpu.memory_space<vmem>>) semaphore(%arg11 : memref<!tpu.dma_semaphore, #tpu.memory_space<semaphore_mem>>)
      %dma_wait3A_108 = arith.constant 0 : i32
      %dma_wait3A_109 = tpu.memref_slice %arg9[%dma_wait3A_108] : memref<50176xi32, #tpu.memory_space<vmem_shared>> -> memref<50176xi32, #tpu.memory_space<vmem_shared>>
      tpu.wait_indirect_dma semaphore(%arg11 : memref<!tpu.dma_semaphore, #tpu.memory_space<semaphore_mem>>) src(%dma_wait3A_109 : memref<50176xi32, #tpu.memory_space<vmem_shared>>) dst(%arg7 : memref<3136xi32, #tpu.memory_space<vmem>>)
      %scan3A_110 = arith.constant 0 : i32
      %scan3A_111 = arith.constant 0 : i32
      %scan3A_112 = arith.constant 49 : i32
      %scan3A_113 = arith.addi %scan3A_111, %scan3A_112 : i32
      %scan3A_114 = arith.constant 1 : i32
      scf.for %scan3A_117 = %scan3A_111 to %scan3A_113 step %scan3A_114  : i32 {
        %mul3A_118 = arith.constant 4 : i32
        %mul3A_119 = arith.muli %mul3A_118, %scan3A_117 : i32
        %add3A_120 = arith.constant 0 : i32
        %add3A_121 = arith.addi %mul3A_119, %add3A_120 : i32
        %mul3A_122 = arith.constant 16 : i32
        %mul3A_123 = arith.muli %add3A_121, %mul3A_122 : i32
        %get3A = arith.index_cast %mul3A_123 : i32 to index
        %get3A_124 = tpu.vector_load %arg5[%get3A] {strides = array<i32>} : memref<3136xi32, #tpu.memory_space<vmem>>, vector<16xi32>,
        %get3A_125 = arith.index_cast %mul3A_123 : i32 to index
        %get3A_126 = tpu.vector_load %arg7[%get3A_125] {strides = array<i32>} : memref<3136xi32, #tpu.memory_space<vmem>>, vector<16xi32>,
        %and3A = arith.constant 1 : i32
        %and3A_127 = vector.broadcast %and3A : i32 to vector<16xi32>
        %and3A_128 = arith.andi %get3A_124, %and3A_127 : vector<16xi32>
        %eq3A = arith.constant 1 : i32
        %eq3A_129 = vector.broadcast %eq3A : i32 to vector<16xi32>
        %eq3A_130 = arith.cmpi eq, %and3A_128, %eq3A_129 : vector<16xi32>
        %select_n3A = arith.select %eq3A_130, %get3A_124, %get3A_126 : vector<16xi1>, vector<16xi32>
        %swap3A = arith.index_cast %mul3A_123 : i32 to index
        %swap3A_131 = tpu.vector_load %arg5[%swap3A] {strides = array<i32>} : memref<3136xi32, #tpu.memory_space<vmem>>, vector<16xi32>,
        tpu.vector_store %arg5[%swap3A], %select_n3A {strides = array<i32>} : memref<3136xi32, #tpu.memory_space<vmem>>, vector<16xi32>,
        %shift_right_arithmetic3A = arith.constant 1 : i32
        %shift_right_arithmetic3A_132 = vector.broadcast %shift_right_arithmetic3A : i32 to vector<16xi32>
        %shift_right_arithmetic3A_133 = arith.shrsi %select_n3A, %shift_right_arithmetic3A_132 : vector<16xi32>
        %swap3A_134 = arith.index_cast %mul3A_123 : i32 to index
        %swap3A_135 = tpu.vector_load %arg6[%swap3A_134] {strides = array<i32>} : memref<3136xi32, #tpu.memory_space<vmem>>, vector<16xi32>,
        tpu.vector_store %arg6[%swap3A_134], %shift_right_arithmetic3A_133 {strides = array<i32>} : memref<3136xi32, #tpu.memory_space<vmem>>, vector<16xi32>,
        %mul3A_136 = arith.constant 4 : i32
        %mul3A_137 = arith.muli %mul3A_136, %scan3A_117 : i32
        %add3A_138 = arith.constant 1 : i32
        %add3A_139 = arith.addi %mul3A_137, %add3A_138 : i32
        %mul3A_140 = arith.constant 16 : i32
        %mul3A_141 = arith.muli %add3A_139, %mul3A_140 : i32
        %get3A_142 = arith.index_cast %mul3A_141 : i32 to index
        %get3A_143 = tpu.vector_load %arg5[%get3A_142] {strides = array<i32>} : memref<3136xi32, #tpu.memory_space<vmem>>, vector<16xi32>,
        %get3A_144 = arith.index_cast %mul3A_141 : i32 to index
        %get3A_145 = tpu.vector_load %arg7[%get3A_144] {strides = array<i32>} : memref<3136xi32, #tpu.memory_space<vmem>>, vector<16xi32>,
        %and3A_146 = arith.constant 1 : i32
        %and3A_147 = vector.broadcast %and3A_146 : i32 to vector<16xi32>
        %and3A_148 = arith.andi %get3A_143, %and3A_147 : vector<16xi32>
        %eq3A_149 = arith.constant 1 : i32
        %eq3A_150 = vector.broadcast %eq3A_149 : i32 to vector<16xi32>
        %eq3A_151 = arith.cmpi eq, %and3A_148, %eq3A_150 : vector<16xi32>
        %select_n3A_152 = arith.select %eq3A_151, %get3A_143, %get3A_145 : vector<16xi1>, vector<16xi32>
        %swap3A_153 = arith.index_cast %mul3A_141 : i32 to index
        %swap3A_154 = tpu.vector_load %arg5[%swap3A_153] {strides = array<i32>} : memref<3136xi32, #tpu.memory_space<vmem>>, vector<16xi32>,
        tpu.vector_store %arg5[%swap3A_153], %select_n3A_152 {strides = array<i32>} : memref<3136xi32, #tpu.memory_space<vmem>>, vector<16xi32>,
        %shift_right_arithmetic3A_155 = arith.constant 1 : i32
        %shift_right_arithmetic3A_156 = vector.broadcast %shift_right_arithmetic3A_155 : i32 to vector<16xi32>
        %shift_right_arithmetic3A_157 = arith.shrsi %select_n3A_152, %shift_right_arithmetic3A_156 : vector<16xi32>
        %swap3A_158 = arith.index_cast %mul3A_141 : i32 to index
        %swap3A_159 = tpu.vector_load %arg6[%swap3A_158] {strides = array<i32>} : memref<3136xi32, #tpu.memory_space<vmem>>, vector<16xi32>,
        tpu.vector_store %arg6[%swap3A_158], %shift_right_arithmetic3A_157 {strides = array<i32>} : memref<3136xi32, #tpu.memory_space<vmem>>, vector<16xi32>,
        %mul3A_160 = arith.constant 4 : i32
        %mul3A_161 = arith.muli %mul3A_160, %scan3A_117 : i32
        %add3A_162 = arith.constant 2 : i32
        %add3A_163 = arith.addi %mul3A_161, %add3A_162 : i32
        %mul3A_164 = arith.constant 16 : i32
        %mul3A_165 = arith.muli %add3A_163, %mul3A_164 : i32
        %get3A_166 = arith.index_cast %mul3A_165 : i32 to index
        %get3A_167 = tpu.vector_load %arg5[%get3A_166] {strides = array<i32>} : memref<3136xi32, #tpu.memory_space<vmem>>, vector<16xi32>,
        %get3A_168 = arith.index_cast %mul3A_165 : i32 to index
        %get3A_169 = tpu.vector_load %arg7[%get3A_168] {strides = array<i32>} : memref<3136xi32, #tpu.memory_space<vmem>>, vector<16xi32>,
        %and3A_170 = arith.constant 1 : i32
        %and3A_171 = vector.broadcast %and3A_170 : i32 to vector<16xi32>
        %and3A_172 = arith.andi %get3A_167, %and3A_171 : vector<16xi32>
        %eq3A_173 = arith.constant 1 : i32
        %eq3A_174 = vector.broadcast %eq3A_173 : i32 to vector<16xi32>
        %eq3A_175 = arith.cmpi eq, %and3A_172, %eq3A_174 : vector<16xi32>
        %select_n3A_176 = arith.select %eq3A_175, %get3A_167, %get3A_169 : vector<16xi1>, vector<16xi32>
        %swap3A_177 = arith.index_cast %mul3A_165 : i32 to index
        %swap3A_178 = tpu.vector_load %arg5[%swap3A_177] {strides = array<i32>} : memref<3136xi32, #tpu.memory_space<vmem>>, vector<16xi32>,
        tpu.vector_store %arg5[%swap3A_177], %select_n3A_176 {strides = array<i32>} : memref<3136xi32, #tpu.memory_space<vmem>>, vector<16xi32>,
        %shift_right_arithmetic3A_179 = arith.constant 1 : i32
        %shift_right_arithmetic3A_180 = vector.broadcast %shift_right_arithmetic3A_179 : i32 to vector<16xi32>
        %shift_right_arithmetic3A_181 = arith.shrsi %select_n3A_176, %shift_right_arithmetic3A_180 : vector<16xi32>
        %swap3A_182 = arith.index_cast %mul3A_165 : i32 to index
        %swap3A_183 = tpu.vector_load %arg6[%swap3A_182] {strides = array<i32>} : memref<3136xi32, #tpu.memory_space<vmem>>, vector<16xi32>,
        tpu.vector_store %arg6[%swap3A_182], %shift_right_arithmetic3A_181 {strides = array<i32>} : memref<3136xi32, #tpu.memory_space<vmem>>, vector<16xi32>,
        %mul3A_184 = arith.constant 4 : i32
        %mul3A_185 = arith.muli %mul3A_184, %scan3A_117 : i32
        %add3A_186 = arith.constant 3 : i32
        %add3A_187 = arith.addi %mul3A_185, %add3A_186 : i32
        %mul3A_188 = arith.constant 16 : i32
        %mul3A_189 = arith.muli %add3A_187, %mul3A_188 : i32
        %get3A_190 = arith.index_cast %mul3A_189 : i32 to index
        %get3A_191 = tpu.vector_load %arg5[%get3A_190] {strides = array<i32>} : memref<3136xi32, #tpu.memory_space<vmem>>, vector<16xi32>,
        %get3A_192 = arith.index_cast %mul3A_189 : i32 to index
        %get3A_193 = tpu.vector_load %arg7[%get3A_192] {strides = array<i32>} : memref<3136xi32, #tpu.memory_space<vmem>>, vector<16xi32>,
        %and3A_194 = arith.constant 1 : i32
        %and3A_195 = vector.broadcast %and3A_194 : i32 to vector<16xi32>
        %and3A_196 = arith.andi %get3A_191, %and3A_195 : vector<16xi32>
        %eq3A_197 = arith.constant 1 : i32
        %eq3A_198 = vector.broadcast %eq3A_197 : i32 to vector<16xi32>
        %eq3A_199 = arith.cmpi eq, %and3A_196, %eq3A_198 : vector<16xi32>
        %select_n3A_200 = arith.select %eq3A_199, %get3A_191, %get3A_193 : vector<16xi1>, vector<16xi32>
        %swap3A_201 = arith.index_cast %mul3A_189 : i32 to index
        %swap3A_202 = tpu.vector_load %arg5[%swap3A_201] {strides = array<i32>} : memref<3136xi32, #tpu.memory_space<vmem>>, vector<16xi32>,
        tpu.vector_store %arg5[%swap3A_201], %select_n3A_200 {strides = array<i32>} : memref<3136xi32, #tpu.memory_space<vmem>>, vector<16xi32>,
        %shift_right_arithmetic3A_203 = arith.constant 1 : i32
        %shift_right_arithmetic3A_204 = vector.broadcast %shift_right_arithmetic3A_203 : i32 to vector<16xi32>
        %shift_right_arithmetic3A_205 = arith.shrsi %select_n3A_200, %shift_right_arithmetic3A_204 : vector<16xi32>
        %swap3A_206 = arith.index_cast %mul3A_189 : i32 to index
        %swap3A_207 = tpu.vector_load %arg6[%swap3A_206] {strides = array<i32>} : memref<3136xi32, #tpu.memory_space<vmem>>, vector<16xi32>,
        tpu.vector_store %arg6[%swap3A_206], %shift_right_arithmetic3A_205 {strides = array<i32>} : memref<3136xi32, #tpu.memory_space<vmem>>, vector<16xi32>,
      }
      %scan3A_115 = arith.constant 49 : i32
      "tpu.region"() ({
        %run_scoped3A = tpu.sem_alloc : memref<!tpu.dma_semaphore, #tpu.memory_space<semaphore_mem>>
        %dma_start3A_117 = tpu.memref_slice %arg9[%mul3A_0] : memref<50176xi32, #tpu.memory_space<vmem_shared>> -> memref<3136xi32, #tpu.memory_space<vmem_shared>>
        %dma_start3A_118 = tpu.memref_slice %arg9[%mul3A_0] : memref<50176xi32, #tpu.memory_space<vmem_shared>> -> memref<3136xi32, #tpu.memory_space<vmem_shared>>
        tpu.enqueue_dma source(%arg5 : memref<3136xi32, #tpu.memory_space<vmem>>) target(%dma_start3A_118 : memref<3136xi32, #tpu.memory_space<vmem_shared>>) target_semaphore(%run_scoped3A : memref<!tpu.dma_semaphore, #tpu.memory_space<semaphore_mem>>)
        %dma_wait3A_119 = tpu.memref_slice %arg9[%mul3A_0] : memref<50176xi32, #tpu.memory_space<vmem_shared>> -> memref<3136xi32, #tpu.memory_space<vmem_shared>>
        %dma_wait3A_120 = tpu.memref_slice %arg9[%mul3A_0] : memref<50176xi32, #tpu.memory_space<vmem_shared>> -> memref<3136xi32, #tpu.memory_space<vmem_shared>>
        tpu.wait_dma2 semaphore(%run_scoped3A : memref<!tpu.dma_semaphore, #tpu.memory_space<semaphore_mem>>) src(%arg5 : memref<3136xi32, #tpu.memory_space<vmem>>) dst(%dma_wait3A_120 : memref<3136xi32, #tpu.memory_space<vmem_shared>>)
        tpu.yield
      }) : () -> ()
      %barrier3A_116 = arith.constant 0 : index
      tpu.barrier barrier_id(%barrier3A_116)
    }
    %scan3A_17 = arith.constant 3 : i32
    %dma_start3A_18 = arith.constant 0 : i32
    %dma_start3A_19 = tpu.memref_slice %arg9[%dma_start3A_18] : memref<50176xi32, #tpu.memory_space<vmem_shared>> -> memref<50176xi32, #tpu.memory_space<vmem_shared>>
    tpu.enqueue_indirect_dma source(%dma_start3A_19 : memref<50176xi32, #tpu.memory_space<vmem_shared>>) target(%arg7 : memref<3136xi32, #tpu.memory_space<vmem>>) offsets(%arg6 : memref<3136xi32, #tpu.memory_space<vmem>>) semaphore(%arg11 : memref<!tpu.dma_semaphore, #tpu.memory_space<semaphore_mem>>)
    %dma_wait3A_20 = arith.constant 0 : i32
    %dma_wait3A_21 = tpu.memref_slice %arg9[%dma_wait3A_20] : memref<50176xi32, #tpu.memory_space<vmem_shared>> -> memref<50176xi32, #tpu.memory_space<vmem_shared>>
    tpu.wait_indirect_dma semaphore(%arg11 : memref<!tpu.dma_semaphore, #tpu.memory_space<semaphore_mem>>) src(%dma_wait3A_21 : memref<50176xi32, #tpu.memory_space<vmem_shared>>) dst(%arg7 : memref<3136xi32, #tpu.memory_space<vmem>>)
    %scan3A_22 = arith.constant 0 : i32
    %scan3A_23 = arith.constant 0 : i32
    %scan3A_24 = arith.constant 49 : i32
    %scan3A_25 = arith.addi %scan3A_23, %scan3A_24 : i32
    %scan3A_26 = arith.constant 1 : i32
    scf.for %scan3A_105 = %scan3A_23 to %scan3A_25 step %scan3A_26  : i32 {
      %mul3A_106 = arith.constant 4 : i32
      %mul3A_107 = arith.muli %mul3A_106, %scan3A_105 : i32
      %add3A_108 = arith.constant 0 : i32
      %add3A_109 = arith.addi %mul3A_107, %add3A_108 : i32
      %mul3A_110 = arith.constant 16 : i32
      %mul3A_111 = arith.muli %add3A_109, %mul3A_110 : i32
      %get3A = arith.index_cast %mul3A_111 : i32 to index
      %get3A_112 = tpu.vector_load %arg5[%get3A] {strides = array<i32>} : memref<3136xi32, #tpu.memory_space<vmem>>, vector<16xi32>,
      %get3A_113 = arith.index_cast %mul3A_111 : i32 to index
      %get3A_114 = tpu.vector_load %arg7[%get3A_113] {strides = array<i32>} : memref<3136xi32, #tpu.memory_space<vmem>>, vector<16xi32>,
      %and3A = arith.constant 1 : i32
      %and3A_115 = vector.broadcast %and3A : i32 to vector<16xi32>
      %and3A_116 = arith.andi %get3A_112, %and3A_115 : vector<16xi32>
      %eq3A = arith.constant 1 : i32
      %eq3A_117 = vector.broadcast %eq3A : i32 to vector<16xi32>
      %eq3A_118 = arith.cmpi eq, %and3A_116, %eq3A_117 : vector<16xi32>
      %select_n3A = arith.select %eq3A_118, %get3A_112, %get3A_114 : vector<16xi1>, vector<16xi32>
      %swap3A = arith.index_cast %mul3A_111 : i32 to index
      %swap3A_119 = tpu.vector_load %arg5[%swap3A] {strides = array<i32>} : memref<3136xi32, #tpu.memory_space<vmem>>, vector<16xi32>,
      tpu.vector_store %arg5[%swap3A], %select_n3A {strides = array<i32>} : memref<3136xi32, #tpu.memory_space<vmem>>, vector<16xi32>,
      %shift_right_arithmetic3A = arith.constant 1 : i32
      %shift_right_arithmetic3A_120 = vector.broadcast %shift_right_arithmetic3A : i32 to vector<16xi32>
      %shift_right_arithmetic3A_121 = arith.shrsi %select_n3A, %shift_right_arithmetic3A_120 : vector<16xi32>
      %swap3A_122 = arith.index_cast %mul3A_111 : i32 to index
      %swap3A_123 = tpu.vector_load %arg6[%swap3A_122] {strides = array<i32>} : memref<3136xi32, #tpu.memory_space<vmem>>, vector<16xi32>,
      tpu.vector_store %arg6[%swap3A_122], %shift_right_arithmetic3A_121 {strides = array<i32>} : memref<3136xi32, #tpu.memory_space<vmem>>, vector<16xi32>,
      %mul3A_124 = arith.constant 4 : i32
      %mul3A_125 = arith.muli %mul3A_124, %scan3A_105 : i32
      %add3A_126 = arith.constant 1 : i32
      %add3A_127 = arith.addi %mul3A_125, %add3A_126 : i32
      %mul3A_128 = arith.constant 16 : i32
      %mul3A_129 = arith.muli %add3A_127, %mul3A_128 : i32
      %get3A_130 = arith.index_cast %mul3A_129 : i32 to index
      %get3A_131 = tpu.vector_load %arg5[%get3A_130] {strides = array<i32>} : memref<3136xi32, #tpu.memory_space<vmem>>, vector<16xi32>,
      %get3A_132 = arith.index_cast %mul3A_129 : i32 to index
      %get3A_133 = tpu.vector_load %arg7[%get3A_132] {strides = array<i32>} : memref<3136xi32, #tpu.memory_space<vmem>>, vector<16xi32>,
      %and3A_134 = arith.constant 1 : i32
      %and3A_135 = vector.broadcast %and3A_134 : i32 to vector<16xi32>
      %and3A_136 = arith.andi %get3A_131, %and3A_135 : vector<16xi32>
      %eq3A_137 = arith.constant 1 : i32
      %eq3A_138 = vector.broadcast %eq3A_137 : i32 to vector<16xi32>
      %eq3A_139 = arith.cmpi eq, %and3A_136, %eq3A_138 : vector<16xi32>
      %select_n3A_140 = arith.select %eq3A_139, %get3A_131, %get3A_133 : vector<16xi1>, vector<16xi32>
      %swap3A_141 = arith.index_cast %mul3A_129 : i32 to index
      %swap3A_142 = tpu.vector_load %arg5[%swap3A_141] {strides = array<i32>} : memref<3136xi32, #tpu.memory_space<vmem>>, vector<16xi32>,
      tpu.vector_store %arg5[%swap3A_141], %select_n3A_140 {strides = array<i32>} : memref<3136xi32, #tpu.memory_space<vmem>>, vector<16xi32>,
      %shift_right_arithmetic3A_143 = arith.constant 1 : i32
      %shift_right_arithmetic3A_144 = vector.broadcast %shift_right_arithmetic3A_143 : i32 to vector<16xi32>
      %shift_right_arithmetic3A_145 = arith.shrsi %select_n3A_140, %shift_right_arithmetic3A_144 : vector<16xi32>
      %swap3A_146 = arith.index_cast %mul3A_129 : i32 to index
      %swap3A_147 = tpu.vector_load %arg6[%swap3A_146] {strides = array<i32>} : memref<3136xi32, #tpu.memory_space<vmem>>, vector<16xi32>,
      tpu.vector_store %arg6[%swap3A_146], %shift_right_arithmetic3A_145 {strides = array<i32>} : memref<3136xi32, #tpu.memory_space<vmem>>, vector<16xi32>,
      %mul3A_148 = arith.constant 4 : i32
      %mul3A_149 = arith.muli %mul3A_148, %scan3A_105 : i32
      %add3A_150 = arith.constant 2 : i32
      %add3A_151 = arith.addi %mul3A_149, %add3A_150 : i32
      %mul3A_152 = arith.constant 16 : i32
      %mul3A_153 = arith.muli %add3A_151, %mul3A_152 : i32
      %get3A_154 = arith.index_cast %mul3A_153 : i32 to index
      %get3A_155 = tpu.vector_load %arg5[%get3A_154] {strides = array<i32>} : memref<3136xi32, #tpu.memory_space<vmem>>, vector<16xi32>,
      %get3A_156 = arith.index_cast %mul3A_153 : i32 to index
      %get3A_157 = tpu.vector_load %arg7[%get3A_156] {strides = array<i32>} : memref<3136xi32, #tpu.memory_space<vmem>>, vector<16xi32>,
      %and3A_158 = arith.constant 1 : i32
      %and3A_159 = vector.broadcast %and3A_158 : i32 to vector<16xi32>
      %and3A_160 = arith.andi %get3A_155, %and3A_159 : vector<16xi32>
      %eq3A_161 = arith.constant 1 : i32
      %eq3A_162 = vector.broadcast %eq3A_161 : i32 to vector<16xi32>
      %eq3A_163 = arith.cmpi eq, %and3A_160, %eq3A_162 : vector<16xi32>
      %select_n3A_164 = arith.select %eq3A_163, %get3A_155, %get3A_157 : vector<16xi1>, vector<16xi32>
      %swap3A_165 = arith.index_cast %mul3A_153 : i32 to index
      %swap3A_166 = tpu.vector_load %arg5[%swap3A_165] {strides = array<i32>} : memref<3136xi32, #tpu.memory_space<vmem>>, vector<16xi32>,
      tpu.vector_store %arg5[%swap3A_165], %select_n3A_164 {strides = array<i32>} : memref<3136xi32, #tpu.memory_space<vmem>>, vector<16xi32>,
      %shift_right_arithmetic3A_167 = arith.constant 1 : i32
      %shift_right_arithmetic3A_168 = vector.broadcast %shift_right_arithmetic3A_167 : i32 to vector<16xi32>
      %shift_right_arithmetic3A_169 = arith.shrsi %select_n3A_164, %shift_right_arithmetic3A_168 : vector<16xi32>
      %swap3A_170 = arith.index_cast %mul3A_153 : i32 to index
      %swap3A_171 = tpu.vector_load %arg6[%swap3A_170] {strides = array<i32>} : memref<3136xi32, #tpu.memory_space<vmem>>, vector<16xi32>,
      tpu.vector_store %arg6[%swap3A_170], %shift_right_arithmetic3A_169 {strides = array<i32>} : memref<3136xi32, #tpu.memory_space<vmem>>, vector<16xi32>,
      %mul3A_172 = arith.constant 4 : i32
      %mul3A_173 = arith.muli %mul3A_172, %scan3A_105 : i32
      %add3A_174 = arith.constant 3 : i32
      %add3A_175 = arith.addi %mul3A_173, %add3A_174 : i32
      %mul3A_176 = arith.constant 16 : i32
      %mul3A_177 = arith.muli %add3A_175, %mul3A_176 : i32
      %get3A_178 = arith.index_cast %mul3A_177 : i32 to index
      %get3A_179 = tpu.vector_load %arg5[%get3A_178] {strides = array<i32>} : memref<3136xi32, #tpu.memory_space<vmem>>, vector<16xi32>,
      %get3A_180 = arith.index_cast %mul3A_177 : i32 to index
      %get3A_181 = tpu.vector_load %arg7[%get3A_180] {strides = array<i32>} : memref<3136xi32, #tpu.memory_space<vmem>>, vector<16xi32>,
      %and3A_182 = arith.constant 1 : i32
      %and3A_183 = vector.broadcast %and3A_182 : i32 to vector<16xi32>
      %and3A_184 = arith.andi %get3A_179, %and3A_183 : vector<16xi32>
      %eq3A_185 = arith.constant 1 : i32
      %eq3A_186 = vector.broadcast %eq3A_185 : i32 to vector<16xi32>
      %eq3A_187 = arith.cmpi eq, %and3A_184, %eq3A_186 : vector<16xi32>
      %select_n3A_188 = arith.select %eq3A_187, %get3A_179, %get3A_181 : vector<16xi1>, vector<16xi32>
      %swap3A_189 = arith.index_cast %mul3A_177 : i32 to index
      %swap3A_190 = tpu.vector_load %arg5[%swap3A_189] {strides = array<i32>} : memref<3136xi32, #tpu.memory_space<vmem>>, vector<16xi32>,
      tpu.vector_store %arg5[%swap3A_189], %select_n3A_188 {strides = array<i32>} : memref<3136xi32, #tpu.memory_space<vmem>>, vector<16xi32>,
      %shift_right_arithmetic3A_191 = arith.constant 1 : i32
      %shift_right_arithmetic3A_192 = vector.broadcast %shift_right_arithmetic3A_191 : i32 to vector<16xi32>
      %shift_right_arithmetic3A_193 = arith.shrsi %select_n3A_188, %shift_right_arithmetic3A_192 : vector<16xi32>
      %swap3A_194 = arith.index_cast %mul3A_177 : i32 to index
      %swap3A_195 = tpu.vector_load %arg6[%swap3A_194] {strides = array<i32>} : memref<3136xi32, #tpu.memory_space<vmem>>, vector<16xi32>,
      tpu.vector_store %arg6[%swap3A_194], %shift_right_arithmetic3A_193 {strides = array<i32>} : memref<3136xi32, #tpu.memory_space<vmem>>, vector<16xi32>,
    }
    %scan3A_27 = arith.constant 49 : i32
    %dma_start3A_28 = arith.constant 0 : i32
    %dma_start3A_29 = tpu.memref_slice %arg8[%dma_start3A_28] : memref<9408xf32, #tpu.memory_space<vmem>> -> memref<3136xf32, #tpu.memory_space<vmem>>
    %dma_start3A_30 = arith.constant 0 : i32
    %dma_start3A_31 = tpu.memref_slice %arg10[%dma_start3A_30] : memref<150528xf32, #tpu.memory_space<vmem_shared>> -> memref<50176xf32, #tpu.memory_space<vmem_shared>>
    %dma_start3A_32 = arith.constant 0 : i32
    %dma_start3A_33 = tpu.memref_slice %dma_start3A_31[%dma_start3A_32] : memref<50176xf32, #tpu.memory_space<vmem_shared>> -> memref<50176xf32, #tpu.memory_space<vmem_shared>>
    tpu.enqueue_indirect_dma source(%dma_start3A_33 : memref<50176xf32, #tpu.memory_space<vmem_shared>>) target(%dma_start3A_29 : memref<3136xf32, #tpu.memory_space<vmem>>) offsets(%arg6 : memref<3136xi32, #tpu.memory_space<vmem>>) semaphore(%arg11 : memref<!tpu.dma_semaphore, #tpu.memory_space<semaphore_mem>>)
    %dma_start3A_34 = arith.constant 3136 : i32
    %dma_start3A_35 = tpu.memref_slice %arg8[%dma_start3A_34] : memref<9408xf32, #tpu.memory_space<vmem>> -> memref<3136xf32, #tpu.memory_space<vmem>>
    %dma_start3A_36 = arith.constant 50176 : i32
    %dma_start3A_37 = tpu.memref_slice %arg10[%dma_start3A_36] : memref<150528xf32, #tpu.memory_space<vmem_shared>> -> memref<50176xf32, #tpu.memory_space<vmem_shared>>
    %dma_start3A_38 = arith.constant 0 : i32
    %dma_start3A_39 = tpu.memref_slice %dma_start3A_37[%dma_start3A_38] : memref<50176xf32, #tpu.memory_space<vmem_shared>> -> memref<50176xf32, #tpu.memory_space<vmem_shared>>
    tpu.enqueue_indirect_dma source(%dma_start3A_39 : memref<50176xf32, #tpu.memory_space<vmem_shared>>) target(%dma_start3A_35 : memref<3136xf32, #tpu.memory_space<vmem>>) offsets(%arg6 : memref<3136xi32, #tpu.memory_space<vmem>>) semaphore(%arg11 : memref<!tpu.dma_semaphore, #tpu.memory_space<semaphore_mem>>)
    %dma_start3A_40 = arith.constant 6272 : i32
    %dma_start3A_41 = tpu.memref_slice %arg8[%dma_start3A_40] : memref<9408xf32, #tpu.memory_space<vmem>> -> memref<3136xf32, #tpu.memory_space<vmem>>
    %dma_start3A_42 = arith.constant 100352 : i32
    %dma_start3A_43 = tpu.memref_slice %arg10[%dma_start3A_42] : memref<150528xf32, #tpu.memory_space<vmem_shared>> -> memref<50176xf32, #tpu.memory_space<vmem_shared>>
    %dma_start3A_44 = arith.constant 0 : i32
    %dma_start3A_45 = tpu.memref_slice %dma_start3A_43[%dma_start3A_44] : memref<50176xf32, #tpu.memory_space<vmem_shared>> -> memref<50176xf32, #tpu.memory_space<vmem_shared>>
    tpu.enqueue_indirect_dma source(%dma_start3A_45 : memref<50176xf32, #tpu.memory_space<vmem_shared>>) target(%dma_start3A_41 : memref<3136xf32, #tpu.memory_space<vmem>>) offsets(%arg6 : memref<3136xi32, #tpu.memory_space<vmem>>) semaphore(%arg11 : memref<!tpu.dma_semaphore, #tpu.memory_space<semaphore_mem>>)
    %dma_wait3A_46 = arith.constant 0 : i32
    %dma_wait3A_47 = tpu.memref_slice %arg8[%dma_wait3A_46] : memref<9408xf32, #tpu.memory_space<vmem>> -> memref<3136xf32, #tpu.memory_space<vmem>>
    %dma_wait3A_48 = arith.constant 0 : i32
    %dma_wait3A_49 = tpu.memref_slice %arg10[%dma_wait3A_48] : memref<150528xf32, #tpu.memory_space<vmem_shared>> -> memref<50176xf32, #tpu.memory_space<vmem_shared>>
    %dma_wait3A_50 = arith.constant 0 : i32
    %dma_wait3A_51 = tpu.memref_slice %dma_wait3A_49[%dma_wait3A_50] : memref<50176xf32, #tpu.memory_space<vmem_shared>> -> memref<50176xf32, #tpu.memory_space<vmem_shared>>
    tpu.wait_indirect_dma semaphore(%arg11 : memref<!tpu.dma_semaphore, #tpu.memory_space<semaphore_mem>>) src(%dma_wait3A_51 : memref<50176xf32, #tpu.memory_space<vmem_shared>>) dst(%dma_wait3A_47 : memref<3136xf32, #tpu.memory_space<vmem>>)
    %dma_wait3A_52 = arith.constant 3136 : i32
    %dma_wait3A_53 = tpu.memref_slice %arg8[%dma_wait3A_52] : memref<9408xf32, #tpu.memory_space<vmem>> -> memref<3136xf32, #tpu.memory_space<vmem>>
    %dma_wait3A_54 = arith.constant 50176 : i32
    %dma_wait3A_55 = tpu.memref_slice %arg10[%dma_wait3A_54] : memref<150528xf32, #tpu.memory_space<vmem_shared>> -> memref<50176xf32, #tpu.memory_space<vmem_shared>>
    %dma_wait3A_56 = arith.constant 0 : i32
    %dma_wait3A_57 = tpu.memref_slice %dma_wait3A_55[%dma_wait3A_56] : memref<50176xf32, #tpu.memory_space<vmem_shared>> -> memref<50176xf32, #tpu.memory_space<vmem_shared>>
    tpu.wait_indirect_dma semaphore(%arg11 : memref<!tpu.dma_semaphore, #tpu.memory_space<semaphore_mem>>) src(%dma_wait3A_57 : memref<50176xf32, #tpu.memory_space<vmem_shared>>) dst(%dma_wait3A_53 : memref<3136xf32, #tpu.memory_space<vmem>>)
    %dma_wait3A_58 = arith.constant 6272 : i32
    %dma_wait3A_59 = tpu.memref_slice %arg8[%dma_wait3A_58] : memref<9408xf32, #tpu.memory_space<vmem>> -> memref<3136xf32, #tpu.memory_space<vmem>>
    %dma_wait3A_60 = arith.constant 100352 : i32
    %dma_wait3A_61 = tpu.memref_slice %arg10[%dma_wait3A_60] : memref<150528xf32, #tpu.memory_space<vmem_shared>> -> memref<50176xf32, #tpu.memory_space<vmem_shared>>
    %dma_wait3A_62 = arith.constant 0 : i32
    %dma_wait3A_63 = tpu.memref_slice %dma_wait3A_61[%dma_wait3A_62] : memref<50176xf32, #tpu.memory_space<vmem_shared>> -> memref<50176xf32, #tpu.memory_space<vmem_shared>>
    tpu.wait_indirect_dma semaphore(%arg11 : memref<!tpu.dma_semaphore, #tpu.memory_space<semaphore_mem>>) src(%dma_wait3A_63 : memref<50176xf32, #tpu.memory_space<vmem_shared>>) dst(%dma_wait3A_59 : memref<3136xf32, #tpu.memory_space<vmem>>)
    %add3A = arith.constant 0 : i32
    %add3A_64 = arith.addi %add3A, %mul3A_0 : i32
    %dma_start3A_65 = arith.constant 0 : i32
    %dma_start3A_66 = tpu.memref_slice %arg8[%dma_start3A_65] : memref<9408xf32, #tpu.memory_space<vmem>> -> memref<3136xf32, #tpu.memory_space<vmem>>
    %dma_start3A_67 = tpu.memref_slice %arg4[%add3A_64] : memref<150528xf32, #tpu.memory_space<hbm>> -> memref<3136xf32, #tpu.memory_space<hbm>>
    %dma_start3A_68 = tpu.memref_slice %arg4[%add3A_64] : memref<150528xf32, #tpu.memory_space<hbm>> -> memref<3136xf32, #tpu.memory_space<hbm>>
    %dma_start3A_69 = arith.constant 0 : i32
    %dma_start3A_70 = tpu.memref_slice %arg8[%dma_start3A_69] : memref<9408xf32, #tpu.memory_space<vmem>> -> memref<3136xf32, #tpu.memory_space<vmem>>
    tpu.enqueue_dma source(%dma_start3A_70 : memref<3136xf32, #tpu.memory_space<vmem>>) target(%dma_start3A_68 : memref<3136xf32, #tpu.memory_space<hbm>>) target_semaphore(%arg12 : memref<!tpu.dma_semaphore, #tpu.memory_space<semaphore_mem>>)
    %add3A_71 = arith.constant 50176 : i32
    %add3A_72 = arith.addi %add3A_71, %mul3A_0 : i32
    %dma_start3A_73 = arith.constant 3136 : i32
    %dma_start3A_74 = tpu.memref_slice %arg8[%dma_start3A_73] : memref<9408xf32, #tpu.memory_space<vmem>> -> memref<3136xf32, #tpu.memory_space<vmem>>
    %dma_start3A_75 = tpu.memref_slice %arg4[%add3A_72] : memref<150528xf32, #tpu.memory_space<hbm>> -> memref<3136xf32, #tpu.memory_space<hbm>>
    %dma_start3A_76 = tpu.memref_slice %arg4[%add3A_72] : memref<150528xf32, #tpu.memory_space<hbm>> -> memref<3136xf32, #tpu.memory_space<hbm>>
    %dma_start3A_77 = arith.constant 3136 : i32
    %dma_start3A_78 = tpu.memref_slice %arg8[%dma_start3A_77] : memref<9408xf32, #tpu.memory_space<vmem>> -> memref<3136xf32, #tpu.memory_space<vmem>>
    tpu.enqueue_dma source(%dma_start3A_78 : memref<3136xf32, #tpu.memory_space<vmem>>) target(%dma_start3A_76 : memref<3136xf32, #tpu.memory_space<hbm>>) target_semaphore(%arg12 : memref<!tpu.dma_semaphore, #tpu.memory_space<semaphore_mem>>)
    %add3A_79 = arith.constant 100352 : i32
    %add3A_80 = arith.addi %add3A_79, %mul3A_0 : i32
    %dma_start3A_81 = arith.constant 6272 : i32
    %dma_start3A_82 = tpu.memref_slice %arg8[%dma_start3A_81] : memref<9408xf32, #tpu.memory_space<vmem>> -> memref<3136xf32, #tpu.memory_space<vmem>>
    %dma_start3A_83 = tpu.memref_slice %arg4[%add3A_80] : memref<150528xf32, #tpu.memory_space<hbm>> -> memref<3136xf32, #tpu.memory_space<hbm>>
    %dma_start3A_84 = tpu.memref_slice %arg4[%add3A_80] : memref<150528xf32, #tpu.memory_space<hbm>> -> memref<3136xf32, #tpu.memory_space<hbm>>
    %dma_start3A_85 = arith.constant 6272 : i32
    %dma_start3A_86 = tpu.memref_slice %arg8[%dma_start3A_85] : memref<9408xf32, #tpu.memory_space<vmem>> -> memref<3136xf32, #tpu.memory_space<vmem>>
    tpu.enqueue_dma source(%dma_start3A_86 : memref<3136xf32, #tpu.memory_space<vmem>>) target(%dma_start3A_84 : memref<3136xf32, #tpu.memory_space<hbm>>) target_semaphore(%arg12 : memref<!tpu.dma_semaphore, #tpu.memory_space<semaphore_mem>>)
    %dma_wait3A_87 = arith.constant 0 : i32
    %dma_wait3A_88 = tpu.memref_slice %arg8[%dma_wait3A_87] : memref<9408xf32, #tpu.memory_space<vmem>> -> memref<3136xf32, #tpu.memory_space<vmem>>
    %dma_wait3A_89 = tpu.memref_slice %arg4[%add3A_64] : memref<150528xf32, #tpu.memory_space<hbm>> -> memref<3136xf32, #tpu.memory_space<hbm>>
    %dma_wait3A_90 = tpu.memref_slice %arg4[%add3A_64] : memref<150528xf32, #tpu.memory_space<hbm>> -> memref<3136xf32, #tpu.memory_space<hbm>>
    %dma_wait3A_91 = arith.constant 0 : i32
    %dma_wait3A_92 = tpu.memref_slice %arg8[%dma_wait3A_91] : memref<9408xf32, #tpu.memory_space<vmem>> -> memref<3136xf32, #tpu.memory_space<vmem>>
    tpu.wait_dma2 semaphore(%arg12 : memref<!tpu.dma_semaphore, #tpu.memory_space<semaphore_mem>>) src(%dma_wait3A_92 : memref<3136xf32, #tpu.memory_space<vmem>>) dst(%dma_wait3A_90 : memref<3136xf32, #tpu.memory_space<hbm>>)
    %dma_wait3A_93 = arith.constant 3136 : i32
    %dma_wait3A_94 = tpu.memref_slice %arg8[%dma_wait3A_93] : memref<9408xf32, #tpu.memory_space<vmem>> -> memref<3136xf32, #tpu.memory_space<vmem>>
    %dma_wait3A_95 = tpu.memref_slice %arg4[%add3A_72] : memref<150528xf32, #tpu.memory_space<hbm>> -> memref<3136xf32, #tpu.memory_space<hbm>>
    %dma_wait3A_96 = tpu.memref_slice %arg4[%add3A_72] : memref<150528xf32, #tpu.memory_space<hbm>> -> memref<3136xf32, #tpu.memory_space<hbm>>
    %dma_wait3A_97 = arith.constant 3136 : i32
    %dma_wait3A_98 = tpu.memref_slice %arg8[%dma_wait3A_97] : memref<9408xf32, #tpu.memory_space<vmem>> -> memref<3136xf32, #tpu.memory_space<vmem>>
    tpu.wait_dma2 semaphore(%arg12 : memref<!tpu.dma_semaphore, #tpu.memory_space<semaphore_mem>>) src(%dma_wait3A_98 : memref<3136xf32, #tpu.memory_space<vmem>>) dst(%dma_wait3A_96 : memref<3136xf32, #tpu.memory_space<hbm>>)
    %dma_wait3A_99 = arith.constant 6272 : i32
    %dma_wait3A_100 = tpu.memref_slice %arg8[%dma_wait3A_99] : memref<9408xf32, #tpu.memory_space<vmem>> -> memref<3136xf32, #tpu.memory_space<vmem>>
    %dma_wait3A_101 = tpu.memref_slice %arg4[%add3A_80] : memref<150528xf32, #tpu.memory_space<hbm>> -> memref<3136xf32, #tpu.memory_space<hbm>>
    %dma_wait3A_102 = tpu.memref_slice %arg4[%add3A_80] : memref<150528xf32, #tpu.memory_space<hbm>> -> memref<3136xf32, #tpu.memory_space<hbm>>
    %dma_wait3A_103 = arith.constant 6272 : i32
    %dma_wait3A_104 = tpu.memref_slice %arg8[%dma_wait3A_103] : memref<9408xf32, #tpu.memory_space<vmem>> -> memref<3136xf32, #tpu.memory_space<vmem>>
    tpu.wait_dma2 semaphore(%arg12 : memref<!tpu.dma_semaphore, #tpu.memory_space<semaphore_mem>>) src(%dma_wait3A_104 : memref<3136xf32, #tpu.memory_space<vmem>>) dst(%dma_wait3A_102 : memref<3136xf32, #tpu.memory_space<hbm>>)
    return
  }
}

module attributes {stable_mosaic.version = 14 : i64} {
  func.func @_tc1_body(%arg0: memref<3x224x224xf32, #tpu.memory_space<vmem>>, %arg1: memref<224x224xi32, #tpu.memory_space<vmem>>, %arg2: memref<224x224xi32, #tpu.memory_space<vmem>>, %arg3: memref<3x224x224xf32, #tpu.memory_space<vmem>>, %arg4: memref<224x224xi32, #tpu.memory_space<vmem>>) attributes {dimension_semantics = [], scalar_prefetch = 0 : i64, scratch_operands = 0 : i64, tpu.core_type = #tpu.core_type<tc>} {
    %get3A = arith.constant 0 : index
    %get3A_0 = arith.constant 0 : index
    %get3A_1 = arith.constant 0 : index
    %get3A_2 = vector.load %arg0[%get3A, %get3A_0, %get3A_1] : memref<3x224x224xf32, #tpu.memory_space<vmem>>, vector<3x224x224xf32>
    %slice3A = vector.extract_strided_slice %get3A_2 {offsets = [0, 0, 1], sizes = [3, 224, 1], strides = [1, 1, 1]} : vector<3x224x224xf32> to vector<3x224x1xf32>
    %slice3A_3 = vector.extract_strided_slice %get3A_2 {offsets = [0, 0, 0], sizes = [3, 224, 223], strides = [1, 1, 1]} : vector<3x224x224xf32> to vector<3x224x223xf32>
    %concatenate3A = tpu.concatenate %slice3A, %slice3A_3 in 2 : vector<3x224x1xf32>, vector<3x224x223xf32> -> vector<3x224x224xf32>
    %slice3A_4 = vector.extract_strided_slice %get3A_2 {offsets = [0, 0, 1], sizes = [3, 224, 223], strides = [1, 1, 1]} : vector<3x224x224xf32> to vector<3x224x223xf32>
    %slice3A_5 = vector.extract_strided_slice %get3A_2 {offsets = [0, 0, 222], sizes = [3, 224, 1], strides = [1, 1, 1]} : vector<3x224x224xf32> to vector<3x224x1xf32>
    %concatenate3A_6 = tpu.concatenate %slice3A_4, %slice3A_5 in 2 : vector<3x224x223xf32>, vector<3x224x1xf32> -> vector<3x224x224xf32>
    %mul3A = arith.constant 0.25947836 : f32
    %mul3A_7 = vector.broadcast %mul3A : f32 to vector<3x224x224xf32>
    %mul3A_8 = arith.mulf %mul3A_7, %concatenate3A : vector<3x224x224xf32>
    %mul3A_9 = arith.constant 0.481043279 : f32
    %mul3A_10 = vector.broadcast %mul3A_9 : f32 to vector<3x224x224xf32>
    %mul3A_11 = arith.mulf %mul3A_10, %get3A_2 : vector<3x224x224xf32>
    %add3A = arith.addf %mul3A_8, %mul3A_11 : vector<3x224x224xf32>
    %mul3A_12 = arith.constant 0.25947836 : f32
    %mul3A_13 = vector.broadcast %mul3A_12 : f32 to vector<3x224x224xf32>
    %mul3A_14 = arith.mulf %mul3A_13, %concatenate3A_6 : vector<3x224x224xf32>
    %add3A_15 = arith.addf %add3A, %mul3A_14 : vector<3x224x224xf32>
    %slice3A_16 = vector.extract_strided_slice %add3A_15 {offsets = [0, 1, 0], sizes = [3, 1, 224], strides = [1, 1, 1]} : vector<3x224x224xf32> to vector<3x1x224xf32>
    %slice3A_17 = vector.extract_strided_slice %add3A_15 {offsets = [0, 0, 0], sizes = [3, 223, 224], strides = [1, 1, 1]} : vector<3x224x224xf32> to vector<3x223x224xf32>
    %concatenate3A_18 = tpu.concatenate %slice3A_16, %slice3A_17 in 1 : vector<3x1x224xf32>, vector<3x223x224xf32> -> vector<3x224x224xf32>
    %slice3A_19 = vector.extract_strided_slice %add3A_15 {offsets = [0, 1, 0], sizes = [3, 223, 224], strides = [1, 1, 1]} : vector<3x224x224xf32> to vector<3x223x224xf32>
    %slice3A_20 = vector.extract_strided_slice %add3A_15 {offsets = [0, 222, 0], sizes = [3, 1, 224], strides = [1, 1, 1]} : vector<3x224x224xf32> to vector<3x1x224xf32>
    %concatenate3A_21 = tpu.concatenate %slice3A_19, %slice3A_20 in 1 : vector<3x223x224xf32>, vector<3x1x224xf32> -> vector<3x224x224xf32>
    %mul3A_22 = arith.constant 0.25947836 : f32
    %mul3A_23 = vector.broadcast %mul3A_22 : f32 to vector<3x224x224xf32>
    %mul3A_24 = arith.mulf %mul3A_23, %concatenate3A_18 : vector<3x224x224xf32>
    %mul3A_25 = arith.constant 0.481043279 : f32
    %mul3A_26 = vector.broadcast %mul3A_25 : f32 to vector<3x224x224xf32>
    %mul3A_27 = arith.mulf %mul3A_26, %add3A_15 : vector<3x224x224xf32>
    %add3A_28 = arith.addf %mul3A_24, %mul3A_27 : vector<3x224x224xf32>
    %mul3A_29 = arith.constant 0.25947836 : f32
    %mul3A_30 = vector.broadcast %mul3A_29 : f32 to vector<3x224x224xf32>
    %mul3A_31 = arith.mulf %mul3A_30, %concatenate3A_21 : vector<3x224x224xf32>
    %add3A_32 = arith.addf %add3A_28, %mul3A_31 : vector<3x224x224xf32>
    %swap3A = arith.constant 0 : index
    %swap3A_33 = arith.constant 0 : index
    %swap3A_34 = arith.constant 0 : index
    %swap3A_35 = vector.load %arg3[%swap3A, %swap3A_33, %swap3A_34] : memref<3x224x224xf32, #tpu.memory_space<vmem>>, vector<3x224x224xf32>
    tpu.vector_store %arg3[%swap3A, %swap3A_33, %swap3A_34], %add3A_32 {strides = array<i32>} : memref<3x224x224xf32, #tpu.memory_space<vmem>>, vector<3x224x224xf32>,
    %iota3A = tpu.iota {dimensions = array<i32: 0>} : vector<224x224xi32>
    %iota3A_36 = tpu.iota {dimensions = array<i32: 1>} : vector<224x224xi32>
    %get3A_37 = arith.constant 0 : index
    %get3A_38 = arith.constant 0 : index
    %get3A_39 = vector.load %arg1[%get3A_37, %get3A_38] : memref<224x224xi32, #tpu.memory_space<vmem>>, vector<224x224xi32>
    %get3A_40 = arith.constant 0 : index
    %get3A_41 = arith.constant 0 : index
    %get3A_42 = vector.load %arg2[%get3A_40, %get3A_41] : memref<224x224xi32, #tpu.memory_space<vmem>>, vector<224x224xi32>
    %ge3A = arith.constant 3 : i32
    %ge3A_43 = vector.broadcast %ge3A : i32 to vector<224x224xi32>
    %ge3A_44 = arith.cmpi sge, %iota3A, %ge3A_43 : vector<224x224xi32>
    %le3A = arith.constant 222 : i32
    %le3A_45 = vector.broadcast %le3A : i32 to vector<224x224xi32>
    %le3A_46 = arith.cmpi sle, %iota3A, %le3A_45 : vector<224x224xi32>
    %and3A = arith.andi %ge3A_44, %le3A_46 : vector<224x224xi1>
    %ge3A_47 = arith.constant 3 : i32
    %ge3A_48 = vector.broadcast %ge3A_47 : i32 to vector<224x224xi32>
    %ge3A_49 = arith.cmpi sge, %iota3A_36, %ge3A_48 : vector<224x224xi32>
    %and3A_50 = arith.andi %and3A, %ge3A_49 : vector<224x224xi1>
    %le3A_51 = arith.constant 222 : i32
    %le3A_52 = vector.broadcast %le3A_51 : i32 to vector<224x224xi32>
    %le3A_53 = arith.cmpi sle, %iota3A_36, %le3A_52 : vector<224x224xi32>
    %and3A_54 = arith.andi %and3A_50, %le3A_53 : vector<224x224xi1>
    %add3A_55 = arith.addi %iota3A_36, %get3A_39 : vector<224x224xi32>
    %add3A_56 = arith.addi %iota3A, %get3A_42 : vector<224x224xi32>
    %mul3A_57 = arith.constant 224 : i32
    %mul3A_58 = vector.broadcast %mul3A_57 : i32 to vector<224x224xi32>
    %mul3A_59 = arith.muli %add3A_56, %mul3A_58 : vector<224x224xi32>
    %add3A_60 = arith.addi %mul3A_59, %add3A_55 : vector<224x224xi32>
    %eq3A = arith.constant 1 : i32
    %eq3A_61 = vector.broadcast %eq3A : i32 to vector<224x224xi32>
    %eq3A_62 = arith.cmpi eq, %get3A_42, %eq3A_61 : vector<224x224xi32>
    %le3A_63 = arith.constant 221 : i32
    %le3A_64 = vector.broadcast %le3A_63 : i32 to vector<224x224xi32>
    %le3A_65 = arith.cmpi sle, %iota3A, %le3A_64 : vector<224x224xi32>
    %and3A_66 = arith.andi %eq3A_62, %le3A_65 : vector<224x224xi1>
    %ge3A_67 = arith.constant 3 : i32
    %ge3A_68 = vector.broadcast %ge3A_67 : i32 to vector<224x224xi32>
    %ge3A_69 = arith.cmpi sge, %add3A_55, %ge3A_68 : vector<224x224xi32>
    %and3A_70 = arith.andi %and3A_66, %ge3A_69 : vector<224x224xi1>
    %le3A_71 = arith.constant 222 : i32
    %le3A_72 = vector.broadcast %le3A_71 : i32 to vector<224x224xi32>
    %le3A_73 = arith.cmpi sle, %add3A_55, %le3A_72 : vector<224x224xi32>
    %and3A_74 = arith.andi %and3A_70, %le3A_73 : vector<224x224xi1>
    %eq3A_75 = arith.constant 0 : i32
    %eq3A_76 = vector.broadcast %eq3A_75 : i32 to vector<224x224xi32>
    %eq3A_77 = arith.cmpi eq, %get3A_42, %eq3A_76 : vector<224x224xi32>
    %eq3A_78 = arith.constant 1 : i32
    %eq3A_79 = vector.broadcast %eq3A_78 : i32 to vector<224x224xi32>
    %eq3A_80 = arith.cmpi eq, %get3A_39, %eq3A_79 : vector<224x224xi32>
    %and3A_81 = arith.andi %eq3A_77, %eq3A_80 : vector<224x224xi1>
    %le3A_82 = arith.constant 221 : i32
    %le3A_83 = vector.broadcast %le3A_82 : i32 to vector<224x224xi32>
    %le3A_84 = arith.cmpi sle, %iota3A_36, %le3A_83 : vector<224x224xi32>
    %and3A_85 = arith.andi %and3A_81, %le3A_84 : vector<224x224xi1>
    %or3A = arith.ori %and3A_74, %and3A_85 : vector<224x224xi1>
    %and3A_86 = arith.andi %and3A_54, %or3A : vector<224x224xi1>
    %mul3A_87 = arith.constant 224 : i32
    %mul3A_88 = vector.broadcast %mul3A_87 : i32 to vector<224x224xi32>
    %mul3A_89 = arith.muli %iota3A, %mul3A_88 : vector<224x224xi32>
    %add3A_90 = arith.addi %mul3A_89, %iota3A_36 : vector<224x224xi32>
    %mul3A_91 = arith.constant 2 : i32
    %mul3A_92 = vector.broadcast %mul3A_91 : i32 to vector<224x224xi32>
    %mul3A_93 = arith.muli %mul3A_92, %add3A_60 : vector<224x224xi32>
    %mul3A_94 = arith.constant 2 : i32
    %mul3A_95 = vector.broadcast %mul3A_94 : i32 to vector<224x224xi32>
    %mul3A_96 = arith.muli %mul3A_95, %add3A_60 : vector<224x224xi32>
    %add3A_97 = arith.constant 1 : i32
    %add3A_98 = vector.broadcast %add3A_97 : i32 to vector<224x224xi32>
    %add3A_99 = arith.addi %mul3A_96, %add3A_98 : vector<224x224xi32>
    %select_n3A = arith.select %and3A_86, %mul3A_93, %add3A_99 : vector<224x224xi1>, vector<224x224xi32>
    %mul3A_100 = arith.constant 2 : i32
    %mul3A_101 = vector.broadcast %mul3A_100 : i32 to vector<224x224xi32>
    %mul3A_102 = arith.muli %mul3A_101, %add3A_90 : vector<224x224xi32>
    %add3A_103 = arith.constant 1 : i32
    %add3A_104 = vector.broadcast %add3A_103 : i32 to vector<224x224xi32>
    %add3A_105 = arith.addi %mul3A_102, %add3A_104 : vector<224x224xi32>
    %select_n3A_106 = arith.select %and3A_54, %select_n3A, %add3A_105 : vector<224x224xi1>, vector<224x224xi32>
    %swap3A_107 = arith.constant 0 : index
    %swap3A_108 = arith.constant 0 : index
    %swap3A_109 = vector.load %arg4[%swap3A_107, %swap3A_108] : memref<224x224xi32, #tpu.memory_space<vmem>>, vector<224x224xi32>
    tpu.vector_store %arg4[%swap3A_107, %swap3A_108], %select_n3A_106 {strides = array<i32>} : memref<224x224xi32, #tpu.memory_space<vmem>>, vector<224x224xi32>,
    return
  }
}

module attributes {stable_mosaic.version = 14 : i64} {
  func.func @_tc2_body(%arg0: memref<3x224x224xf32, #tpu.memory_space<vmem>>, %arg1: memref<3x224x224xf32, #tpu.memory_space<vmem>>) attributes {dimension_semantics = [], scalar_prefetch = 0 : i64, scratch_operands = 0 : i64, tpu.core_type = #tpu.core_type<tc>} {
    %get3A = arith.constant 0 : index
    %get3A_0 = arith.constant 0 : index
    %get3A_1 = arith.constant 0 : index
    %get3A_2 = vector.load %arg0[%get3A, %get3A_0, %get3A_1] : memref<3x224x224xf32, #tpu.memory_space<vmem>>, vector<3x224x224xf32>
    %slice3A = vector.extract_strided_slice %get3A_2 {offsets = [0, 0, 1], sizes = [3, 224, 1], strides = [1, 1, 1]} : vector<3x224x224xf32> to vector<3x224x1xf32>
    %slice3A_3 = vector.extract_strided_slice %get3A_2 {offsets = [0, 0, 0], sizes = [3, 224, 223], strides = [1, 1, 1]} : vector<3x224x224xf32> to vector<3x224x223xf32>
    %concatenate3A = tpu.concatenate %slice3A, %slice3A_3 in 2 : vector<3x224x1xf32>, vector<3x224x223xf32> -> vector<3x224x224xf32>
    %slice3A_4 = vector.extract_strided_slice %get3A_2 {offsets = [0, 0, 1], sizes = [3, 224, 223], strides = [1, 1, 1]} : vector<3x224x224xf32> to vector<3x224x223xf32>
    %slice3A_5 = vector.extract_strided_slice %get3A_2 {offsets = [0, 0, 222], sizes = [3, 224, 1], strides = [1, 1, 1]} : vector<3x224x224xf32> to vector<3x224x1xf32>
    %concatenate3A_6 = tpu.concatenate %slice3A_4, %slice3A_5 in 2 : vector<3x224x223xf32>, vector<3x224x1xf32> -> vector<3x224x224xf32>
    %mul3A = arith.constant 0.25947836 : f32
    %mul3A_7 = vector.broadcast %mul3A : f32 to vector<3x224x224xf32>
    %mul3A_8 = arith.mulf %mul3A_7, %concatenate3A : vector<3x224x224xf32>
    %mul3A_9 = arith.constant 0.481043279 : f32
    %mul3A_10 = vector.broadcast %mul3A_9 : f32 to vector<3x224x224xf32>
    %mul3A_11 = arith.mulf %mul3A_10, %get3A_2 : vector<3x224x224xf32>
    %add3A = arith.addf %mul3A_8, %mul3A_11 : vector<3x224x224xf32>
    %mul3A_12 = arith.constant 0.25947836 : f32
    %mul3A_13 = vector.broadcast %mul3A_12 : f32 to vector<3x224x224xf32>
    %mul3A_14 = arith.mulf %mul3A_13, %concatenate3A_6 : vector<3x224x224xf32>
    %add3A_15 = arith.addf %add3A, %mul3A_14 : vector<3x224x224xf32>
    %slice3A_16 = vector.extract_strided_slice %add3A_15 {offsets = [0, 1, 0], sizes = [3, 1, 224], strides = [1, 1, 1]} : vector<3x224x224xf32> to vector<3x1x224xf32>
    %slice3A_17 = vector.extract_strided_slice %add3A_15 {offsets = [0, 0, 0], sizes = [3, 223, 224], strides = [1, 1, 1]} : vector<3x224x224xf32> to vector<3x223x224xf32>
    %concatenate3A_18 = tpu.concatenate %slice3A_16, %slice3A_17 in 1 : vector<3x1x224xf32>, vector<3x223x224xf32> -> vector<3x224x224xf32>
    %slice3A_19 = vector.extract_strided_slice %add3A_15 {offsets = [0, 1, 0], sizes = [3, 223, 224], strides = [1, 1, 1]} : vector<3x224x224xf32> to vector<3x223x224xf32>
    %slice3A_20 = vector.extract_strided_slice %add3A_15 {offsets = [0, 222, 0], sizes = [3, 1, 224], strides = [1, 1, 1]} : vector<3x224x224xf32> to vector<3x1x224xf32>
    %concatenate3A_21 = tpu.concatenate %slice3A_19, %slice3A_20 in 1 : vector<3x223x224xf32>, vector<3x1x224xf32> -> vector<3x224x224xf32>
    %mul3A_22 = arith.constant 0.25947836 : f32
    %mul3A_23 = vector.broadcast %mul3A_22 : f32 to vector<3x224x224xf32>
    %mul3A_24 = arith.mulf %mul3A_23, %concatenate3A_18 : vector<3x224x224xf32>
    %mul3A_25 = arith.constant 0.481043279 : f32
    %mul3A_26 = vector.broadcast %mul3A_25 : f32 to vector<3x224x224xf32>
    %mul3A_27 = arith.mulf %mul3A_26, %add3A_15 : vector<3x224x224xf32>
    %add3A_28 = arith.addf %mul3A_24, %mul3A_27 : vector<3x224x224xf32>
    %mul3A_29 = arith.constant 0.25947836 : f32
    %mul3A_30 = vector.broadcast %mul3A_29 : f32 to vector<3x224x224xf32>
    %mul3A_31 = arith.mulf %mul3A_30, %concatenate3A_21 : vector<3x224x224xf32>
    %add3A_32 = arith.addf %add3A_28, %mul3A_31 : vector<3x224x224xf32>
    %jit3A = arith.constant 0.000000e+00 : f32
    %jit3A_33 = arith.constant 1.000000e+00 : f32
    %max3A = vector.broadcast %jit3A : f32 to vector<3x224x224xf32>
    %max3A_34 = arith.maximumf %max3A, %add3A_32 : vector<3x224x224xf32>
    %min3A = vector.broadcast %jit3A_33 : f32 to vector<3x224x224xf32>
    %min3A_35 = arith.minimumf %min3A, %max3A_34 : vector<3x224x224xf32>
    %swap3A = arith.constant 0 : index
    %swap3A_36 = arith.constant 0 : index
    %swap3A_37 = arith.constant 0 : index
    %swap3A_38 = vector.load %arg1[%swap3A, %swap3A_36, %swap3A_37] : memref<3x224x224xf32, #tpu.memory_space<vmem>>, vector<3x224x224xf32>
    tpu.vector_store %arg1[%swap3A, %swap3A_36, %swap3A_37], %min3A_35 {strides = array<i32>} : memref<3x224x224xf32, #tpu.memory_space<vmem>>, vector<3x224x224xf32>,
    return
  }
}

</mosaic_0001>

<sc_bundles>
// kernel: kernel.5.cloned.1.call-start
scs
__scs_entry_jumppad:
0x0: {  	(pc) =	sbr.rel $0x88, $3  }
0x1: {  	(tag) =	ssettag $0x0;
	lr =	simm.s32 $0x1  }
0x2: {  	[smem:$0x3F9F] =	sst lr;
	_ =	strace $0xD0000000  }
0x3: {  	_ = 	snop  }
0x4: {  	_ = 	snop  }
0x5: {  	_ = 	snop  }
0x6: {  	_ = 	snop  }
0x7: {  	_ = 	snop  }
__scs_overlays_trampoline_lowered:
0x8: {  	[smem:$0x3FAE] =	sst s0  }
0x9: {  	[smem:$0x3FAF] =	sst s1  }
0xa: {  	[smem:$0x3FB0] =	sst s2  }
0xb: {  	[smem:$0x3FB1] =	sst s3  }
0xc: {  	[smem:$0x3FB2] =	sst s4  }
0xd: {  	[smem:$0x3FB3] =	sst s5  }
0xe: {  	[smem:$0x3FB4] =	sst s6  }
0xf: {  	[smem:$0x3FB5] =	sst s7  }
0x10: {  	[smem:$0x3FB6] =	sst s8  }
0x11: {  	[smem:$0x3FB7] =	sst s9;
	s0 =	simm.s32 @!p0 $0x0  }
0x12: {  	s1 =	sld [smem:$0x3F9D];
	s0 =	simm.s32 @p0 $0x1  }
0x13: {  	[smem:$0x3FB8] =	sst s0;
	s0 =	simm.s32 @!p1 $0x0  }
0x14: {  	s2 =	sld [smem:$0x3F9C];
	s0 =	simm.s32 @p1 $0x1  }
0x15: {  	[smem:$0x3FB9] =	sst s0;
	s0 =	simm.s32 @!p2 $0x0  }
0x16: {  	s3 =	sld [smem:$0x3FDB];
	s0 =	simm.s32 @p2 $0x1  }
0x17: {  	s4 =	simm.s32 $0x1BF5;
	[smem:$0x3FBB] =	sst s0  }
0x18: {  	s0 =	sld [smem:$0x3F9E];
	_ =	swait.ge [sflag:s4], $0x0  }
0x19: {  	s7 =	sld [smem:$0x3F9F]  }
0x1a: {  	s8 =	sadd.s32 $0xFFFFE003, lr  }
0x1b: {  	s9 =	sadd.s32 $0xFFFFFEF7, lr;
	s5 =	simm.s32 $0xFFFFFFFF;
	p2 =	slt.u32 s8, $0xFFFFF086  }
0x1c: {  	p1 =	slt.u32 s9, $0xF7A;
	s5 =	simm.s32 @!p2 $0x0  }
0x1d: {  	s5 =	simm.s32 @p1 $0x1;
	p0 =	seq.s32 s7, s2  }
0x1e: {  	s7 =	smul.u32 @!p0 $0xF7A, s2;
	p2 =	seq.s32 @!p0 s5, $0x0  }
0x1f: {  	s9 =	smul.u32 $0xF7A, s1;
	s8 =	simm.s32 @!p0 $0x1BF5;
	p2 =	por !p2, p0  }
0x20: {  	[sflag:s8] =	ssyncset.s32 @!p0 $0xFFFFF086;
	s6 =	sadd.s32 @!p0 s3, s7;
	s7 =	simm.s32 @!p0 $0x108  }
0x21: {  	s3 =	sadd.s32 s3, s9;
	s6 =	sadd.s32 @!p0 $0x88, s6;
	s7 =	simm.s32 @p2 $0x1082  }
0x22: {  	[simem:s7], [sflag:s8] =	dma.local @!p0 [hbm:s6], $0xF7A  }
0x23: {  	s9 =	sor.u32 $0xD0000000, s2;
	s6 =	simm.s32 $0x108;
	_ =	swait.ge @!p0 [sflag:s8], $0x0  }
0x24: {  	s3 =	sadd.s32 $0x88, s3;
	s6 =	simm.s32 @!p1 $0x1082;
	[sflag:s4] =	ssyncset.s32 $0xFFFFF086  }
0x25: {  	[simem:s6], [sflag:s4] =	dma.local [hbm:s3], $0xF7A  }
0x26: {  	[smem:$0x3F9F] =	sst s1;
	(tag) =	ssettag s2;
	_ =	strace s9  }
0x27: {  	s1 =	sld [smem:$0x3FAF]  }
0x28: {  	s2 =	sld [smem:$0x3FB0]  }
0x29: {  	s4 =	sld [smem:$0x3FB2]  }
0x2a: {  	p0 =	seq.s32 s5, $0x0;
	s5 =	sld [smem:$0x3FB3]  }
0x2b: {  	s6 =	sld [smem:$0x3FB4]  }
0x2c: {  	s7 =	sld [smem:$0x3FB5]  }
0x2d: {  	s3 =	simm.s32 $0x108;
	s8 =	sld [smem:$0x3FB6]  }
0x2e: {  	s3 =	simm.s32 @!p0 $0x1082;
	s9 =	sld [smem:$0x3FB7]  }
0x2f: {  	lr =	sadd.s32 s0, s3;
	s0 =	sld [smem:$0x3FAE]  }
0x30: {  	s3 =	sld [smem:$0x3FB1]  }
0x31: {  	[smem:$0x3FBA] =	sst s10  }
0x32: {  	s10 =	sld [smem:$0x3FB8];
	_ =	sdelay $0x3  }
0x33: {  	p0 =	seq.s32 s10, $0x1;
	s10 =	sld [smem:$0x3FBA];
	_ =	sdelay $0x3  }
0x34: {  	[smem:$0x3FBA] =	sst s10  }
0x35: {  	s10 =	sld [smem:$0x3FB9];
	_ =	sdelay $0x3  }
0x36: {  	p1 =	seq.s32 s10, $0x1;
	s10 =	sld [smem:$0x3FBA];
	_ =	sdelay $0x3  }
0x37: {  	[smem:$0x3FBA] =	sst s10  }
0x38: {  	s10 =	sld [smem:$0x3FBB]  }
0x39: {  	_ = 	snop;
	(pc) =	sbr.ind lr, $3  }
0x3a: {  	_ = 	snop  }
0x3b: {  	_ = 	snop  }
0x3c: {  	p2 =	seq.s32 s10, $0x1;
	s10 =	sld [smem:$0x3FBA]  }
0x3d: {  	_ =	shalt  }
0x3e: {  	_ =	shalt  }
0x3f: {  	_ =	shalt  }
0x40: {  	_ =	shalt  }
0x41: {  	_ =	shalt  }
0x42: {  	_ =	shalt  }
0x43: {  	_ =	shalt  }
0x44: {  	_ =	shalt  }
0x45: {  	_ =	shalt  }
0x46: {  	_ =	shalt  }
0x47: {  	_ =	shalt  }
0x48: {  	_ =	shalt  }
0x49: {  	_ =	shalt  }
0x4a: {  	_ =	shalt  }
0x4b: {  	_ =	shalt  }
0x4c: {  	_ =	shalt  }
0x4d: {  	_ =	shalt  }
0x4e: {  	_ =	shalt  }
0x4f: {  	_ =	shalt  }
0x50: {  	_ =	shalt  }
0x51: {  	_ =	shalt  }
0x52: {  	_ =	shalt  }
0x53: {  	_ =	shalt  }
0x54: {  	_ =	shalt  }
0x55: {  	_ =	shalt  }
0x56: {  	_ =	shalt  }
0x57: {  	_ =	shalt  }
0x58: {  	_ =	shalt  }
0x59: {  	_ =	shalt  }
0x5a: {  	_ =	shalt  }
0x5b: {  	_ =	shalt  }
0x5c: {  	_ =	shalt  }
0x5d: {  	_ =	shalt  }
0x5e: {  	_ =	shalt  }
0x5f: {  	_ =	shalt  }
0x60: {  	_ =	shalt  }
0x61: {  	_ =	shalt  }
0x62: {  	_ =	shalt  }
0x63: {  	_ =	shalt  }
0x64: {  	_ =	shalt  }
0x65: {  	_ =	shalt  }
0x66: {  	_ =	shalt  }
0x67: {  	_ =	shalt  }
0x68: {  	_ =	shalt  }
0x69: {  	_ =	shalt  }
0x6a: {  	_ =	shalt  }
0x6b: {  	_ =	shalt  }
0x6c: {  	_ =	shalt  }
0x6d: {  	_ =	shalt  }
0x6e: {  	_ =	shalt  }
0x6f: {  	_ =	shalt  }
0x70: {  	_ =	shalt  }
0x71: {  	_ =	shalt  }
0x72: {  	_ =	shalt  }
0x73: {  	_ =	shalt  }
0x74: {  	_ =	shalt  }
0x75: {  	_ =	shalt  }
0x76: {  	_ =	shalt  }
0x77: {  	_ =	shalt  }
0x78: {  	_ =	shalt  }
0x79: {  	_ =	shalt  }
0x7a: {  	_ =	shalt  }
0x7b: {  	_ =	shalt  }
0x7c: {  	_ =	shalt  }
0x7d: {  	_ =	shalt  }
0x7e: {  	_ =	shalt  }
0x7f: {  	_ =	shalt  }
0x80: {  	_ =	shalt  }
0x81: {  	_ =	shalt  }
0x82: {  	_ =	shalt  }
0x83: {  	_ =	shalt  }
0x84: {  	_ =	shalt  }
0x85: {  	_ =	shalt  }
0x86: {  	_ =	shalt  }
0x87: {  	_ =	shalt  }
.Lfunc_end0:
.L_simem_size_0:
called_computation_lowered:
.L_overlay_start_0:
0x88: {  	s0 =	sld [smem:$0x3FD9]  }
0x89: {  	s1 =	sld [smem:$0x3FFE];
	_ =	sdelay $0x3  }
0x8a: {  	s0 =	sadd.s32 s1, s0  }
0x8b: {  	[smem:$0x3FC6] =	sst s0  }
0x8c: {  	_ = 	snop  }
0x8d: {  	s0 =	sld [smem:$0x3FD0];
	(tm) =	ssettm $0x1  }
0x8e: {  	s16 =	sld [smem:$0x3FFB];
	_ =	sdelay $0x3  }
0x8f: {  	_ =	strace s16  }
0x90: {  	s1 =	sld [smem:$0x3FFC];
	_ =	sdelay $0x3  }
0x91: {  	_ =	strace s1  }
0x92: {  	s1 =	sld [smem:$0x3FFD];
	_ =	sdelay $0x3  }
0x93: {  	_ =	strace s1  }
0x94: {  	_ =	strace $0x8FFFFFFF  }
0x95: {  	s17 =	sld [smem:$0x3FDB];
	_ =	sdelay $0x1  }
0x96: {  	s2 =	simm.s32 $_scs_section_size  }
0x97: {  	s3 =	simm.s32 $_size__tile_overlayer_lowered;
	s4 =	simm.s32 $_tile_overlayer_lowered  }
0x98: {  	s20 =	simm.s32 $0x1BFF;
	s19 =	sshll.u32 s4, $0x1;
	s1 =	sadd.s32 s2, s17  }
0x99: {  	s5 =	simm.s32 $0x0;
	s18 =	sshll.u32 s3, $0x1;
	s3 =	sadd.s32 s19, s1  }
0x9a: {  	[timem:s5], [sflag:s20] =	dma.local [hbm:s3], s18  }
0x9b: {  	_ =	swait.ge [sflag:s20], s18  }
0x9c: {  	s2 =	ssub.s32 $0x0, s18;
	[sflag:s20] =	ssyncset.done $0x0  }
0x9d: {  	[sflag:s20] =	ssyncadd.s32 s2;
	_ =	sdelay $0x1  }
0x9e: {  	s21 =	simm.s32 $0x1B8B  }
0x9f: {  	_ =	swait.ge [sflag:s21], $0x1  }
0xa0: {  	[sflag:s21] =	ssyncset.done $0x0  }
0xa1: {  	s23 =	simm.s32 $0x1B8E;
	s22 =	sld [smem:$0x3FFE];
	[sflag:s21] =	ssyncadd.s32 $0xFFFFFFFF  }
0xa2: {  	s24 =	simm.s32 $execute0_lowered;
	[smem:$0x3FD2] =	sst s23  }
0xa3: {  	s3 =	sshll.u32 s24, $0x1;
	_ =	strace $0x80000046;
	[dreg:$0x1] =	wrdreg $0xFFFFFFFF  }
0xa4: {  	s25 =	simm.s32 $_size_execute0_lowered;
	s1 =	sadd.s32 s1, s3;
	[dreg:$0x0] =	wrdreg $0x0  }
0xa5: {  	s3 =	sshll.u32 s25, $0x1;
	[dreg:$0x2] =	wrdreg s1  }
0xa6: {  	[dreg:$0x3] =	wrdreg s3  }
0xa7: {  	[dreg:$0x4] =	wrdreg $0xC0  }
0xa8: {  	_ =	task [dreg:s5], $0x5FFFF  }
0xa9: {  	[dreg:$0x1] =	wrdreg $0xFFFFFFFF  }
0xaa: {  	[dreg:$0x0] =	wrdreg $0x60  }
0xab: {  	[dreg:$0x2] =	wrdreg s22  }
0xac: {  	[dreg:$0x3] =	wrdreg s0  }
0xad: {  	[dreg:$0x4] =	wrdreg $0x56C00  }
0xae: {  	[dreg:$0x5] =	wrdreg $0x4A800  }
0xaf: {  	[dreg:$0x6] =	wrdreg $0x9  }
0xb0: {  	_ =	task.clear_ibuf [dreg:s5], $0x7FFFF;
	_ =	strace $0x90000046  }
0xb1: {  	s26 =	simm.s32 $0x9;
	_ =	strace $0x80000048  }
0xb2: {  	_ =	swait.ge [sflag:s26], $0x1  }
0xb3: {  	[sflag:s26] =	ssyncadd.s32 $0xFFFFFFFF  }
0xb4: {  	_ =	strace $0x90000048  }
0xb5: {  	_ =	sfence  }
0xb6: {  	s28 =	sld [smem:$0x0];
	_ =	sdelay $0x1  }
0xb7: {  	s29 =	srdreg.scid  }
0xb8: {  	s30 =	sshll.u32 s29, $0xD;
	s31 =	sshrl.u32 s29, $0x2  }
0xb9: {  	s2 =	sand.u32 $0x4000, s30;
	s1 =	sand.u32 $0x1, s29;
	s0 =	sadd.s32 s31, s28  }
0xba: {  	s1 =	sor.u32 s2, s1;
	s0 =	sshll.u32 s0, $0x11  }
0xbb: {  	s0 =	sor.u32 s0, s1  }
0xbc: {  	s0 =	sadd.s32 $0x8F2B, s0  }
0xbd: {  	[sflag:s0] =	ssyncadd.remote.s32 $0x1  }
0xbe: {  	_ =	sfence.sel $0xFFFF  }
0xbf: {  	[dreg:$0x0] =	wrdreg $0xFFFFFFFF;
	(pc) =	sbr.abs _section_cstart, $3  }
0xc0: {  	[dreg:$0x1] =	wrdreg $0xFFFFFFFF  }
0xc1: {  	_ =	task.clear_ibuf [dreg:s5], $0x2FFFF;
	_ =	strace $0x9FFFFFFF  }
0xc2: {  	(tm) =	ssettm $0x7FFFFFFF  }
0xc3: {  	_ =	shalt  }
tec
execute0_lowered:
.L_overlay_start_1:
0x0: {  	(tag) =	ssettag $0x1  }
0x1: {  	s4 =	rddreg [dreg:$0x0]  }
0x2: {  	s9 =	rddreg [dreg:$0x1];
	s0 =	stileid.u32  }
0x3: {  	s3 =	rddreg [dreg:$0x2];
	s6 =	smul.u32 $0xC40, s0  }
0x4: {  	s5 =	rddreg [dreg:$0x3];
	s7 =	smul.u32 $0x24C0, s0  }
0x5: {  	s1 =	rddreg [dreg:$0x4];
	s8 =	simm.s32 $0x0;
	s29 =	simm.s32 $0x2580  }
0x6: {  	[smem:$0x7FF] =	sst s8;
	s2 =	sshrl.u32 s6, $0x3;
	s10 =	sshrl.u32 s7, $0x3  }
0x7: {  	_ =	strace $0x80000047;
	s11 =	sadd.s32 s2, s4;
	s9 =	sadd.s32 s9, s10  }
0x8: {  	[tilespmem:s29], [sflag:$0x2] =	stream.linear.gather [hbm4b:s9+s8], $0x24C0, $0x38;
	[tilespmem:$0x7B80] =	vst v63  }
0x9: {  	s31 =	simm.s32 $0x3;
	s30 =	sadd.s32 $0xA00, s11  }
0xa: {  	v1 =	vlaneseq.u32;
	[tilespmem:s8], [sflag:$0x3] =	stream.linear.gather [hbm4b:s30+s8], $0xC40, $0x38;
	[tilespmem:$0x7B80] =	vst v63  }
0xb: {  	v2 =	vmul.u32 $0xFFFE0000, v1;
	v3 =	vmul.u32 $0xFFFFFFFF, v1;
	_ =	swait.ge [sflag:s31], $0xC40  }
0xc: {  	vm0 =	vcmask $0x3F3C;
	v1 =	vadd.s32 $0x1, v1;
	s4 =	sadd.s32 $0x2400, s4;
	s10 =	simm.s32 $0xC30;
	[sflag:s31] =	ssyncset.done $0x0  }
0xd: {  	v0 =	vmov s6;
	v2 =	vadd.s32 $0x200000, v2;
	v3 =	vadd.s32 $0xF, v3;
	s9 =	simm.s32 $0x18B0;
	s11 =	simm.s32 $0x0;
	[sflag:s31] =	ssyncadd.s32 $0xFFFFF3C0  }
.LBB2_1:
0xe: {  	v4 =	vld [tilespmem:s10+$0x0];
	_ =	sdelay $0x2  }
0xf: {  	s12 =	sadd.s32 s11, s6  }
0x10: {  	s13 =	sadd.s32 $0xC30, s12  }
0x11: {  	v7 =	vadd.s32 s13, v1;
	v5 =	vand.u32 $0x1, v4;
	v6 =	vshra.s32 v4, $0x1  }
0x12: {  	vm1 =	veq.s32 v5, $0x1;
	vm2 =	vne.s32 v6, v7  }
0x13: {  	vm1 =	vmor vm2, vm1  }
0x14: {  	v5 =	vor.u32 v2, v4;
	vm1 =	vmor vm1, vm0  }
0x15: {  	v4 =	vsel vm1, v5, v4  }
0x16: {  	v4 =	vperm.xlane v4, v3;
	_ =	sdelay $0x1  }
0x17: {  	v4 =	vxor.u32 $0x80000000, v4  }
0x18: {  	(xrf0) =	vmax.scan.msk.u32 $0xffff, v4;
	_ =	sdelay $0x5  }
0x19: {  	v4, _, _ =	vpop (xrf0)  }
0x1a: {  	v4 =	vxor.u32 $0x80000000, v4  }
0x1b: {  	v4 =	vperm.xlane v4, v3;
	_ =	sdelay $0x1  }
0x1c: {  	v5 =	vand.u32 $0x1FFFF, v4  }
0x1d: {  	v50 =	vshrl.u32 v5, $0x1  }
0x1e: {  	v6 =	vsub.s32 v50, v0  }
0x1f: {  	vm1 =	vgt.s32 v6, $0x0  }
0x20: {  	v51 =	vnsel vm1, $0x0, v6  }
0x21: {  	v7 =	vmin.u32 v51, $0xC3F;
	_ =	sdelay $0x4  }
0x22: {  	v7 =	vld.idx.msk [tilespmem:v7+s8+$0x0], $0xffff;
	_ =	sdelay $0x1  }
0x23: {  	v4 =	vand.u32 $0x1, v4  }
0x24: {  	vm2 =	veq.s32 v4, $0x0;
	vm1 =	vlt.u32 v6, $0xC40  }
0x25: {  	vm1 =	vmand vm2, vm1  }
0x26: {  	v4 =	vsel vm1, v7, v5  }
0x27: {  	[tilespmem:s10+$0x0] =	vst v4;
	v4 =	vshra.s32 v4, $0x1  }
0x28: {  	[tilespmem:s9+$0x0] =	vst v4  }
0x29: {  	v4 =	vld [tilespmem:s10+$0xFFFFFFF0];
	_ =	sdelay $0x3  }
0x2a: {  	s30 =	sadd.s32 $0xC20, s12  }
0x2b: {  	v53 =	vor.u32 s30, v1;
	v5 =	vand.u32 $0x1, v4;
	v52 =	vshra.s32 v4, $0x1  }
0x2c: {  	vm1 =	veq.s32 v5, $0x1;
	vm2 =	vne.s32 v52, v53  }
0x2d: {  	vm1 =	vmor vm2, vm1  }
0x2e: {  	v5 =	vor.u32 v2, v4;
	vm1 =	vmor vm1, vm0  }
0x2f: {  	v4 =	vsel vm1, v5, v4  }
0x30: {  	v4 =	vperm.xlane v4, v3;
	_ =	sdelay $0x1  }
0x31: {  	v4 =	vxor.u32 $0x80000000, v4  }
0x32: {  	(xrf0) =	vmax.scan.msk.u32 $0xffff, v4;
	_ =	sdelay $0x5  }
0x33: {  	v4, _, _ =	vpop (xrf0)  }
0x34: {  	v4 =	vxor.u32 $0x80000000, v4  }
0x35: {  	v4 =	vperm.xlane v4, v3;
	_ =	sdelay $0x1  }
0x36: {  	v5 =	vand.u32 $0x1FFFF, v4  }
0x37: {  	v54 =	vshrl.u32 v5, $0x1  }
0x38: {  	v6 =	vsub.s32 v54, v0  }
0x39: {  	vm1 =	vgt.s32 v6, $0x0  }
0x3a: {  	v55 =	vnsel vm1, $0x0, v6  }
0x3b: {  	v7 =	vmin.u32 v55, $0xC3F;
	_ =	sdelay $0x4  }
0x3c: {  	v7 =	vld.idx.msk [tilespmem:v7+s8+$0x0], $0xffff;
	_ =	sdelay $0x1  }
0x3d: {  	v4 =	vand.u32 $0x1, v4  }
0x3e: {  	vm2 =	veq.s32 v4, $0x0;
	vm1 =	vlt.u32 v6, $0xC40  }
0x3f: {  	vm1 =	vmand vm2, vm1  }
0x40: {  	v4 =	vsel vm1, v7, v5  }
0x41: {  	[tilespmem:s10+$0xFFFFFFF0] =	vst v4;
	v4 =	vshra.s32 v4, $0x1  }
0x42: {  	[tilespmem:s9+$0xFFFFFFF0] =	vst v4  }
0x43: {  	v4 =	vld [tilespmem:s10+$0xFFFFFFE0];
	_ =	sdelay $0x3  }
0x44: {  	s31 =	sadd.s32 $0xC10, s12  }
0x45: {  	v57 =	vadd.s32 s31, v1;
	v5 =	vand.u32 $0x1, v4;
	v56 =	vshra.s32 v4, $0x1  }
0x46: {  	vm1 =	veq.s32 v5, $0x1;
	vm2 =	vne.s32 v56, v57  }
0x47: {  	vm1 =	vmor vm2, vm1  }
0x48: {  	v5 =	vor.u32 v2, v4;
	vm1 =	vmor vm1, vm0  }
0x49: {  	v4 =	vsel vm1, v5, v4  }
0x4a: {  	v4 =	vperm.xlane v4, v3;
	_ =	sdelay $0x1  }
0x4b: {  	v4 =	vxor.u32 $0x80000000, v4  }
0x4c: {  	(xrf0) =	vmax.scan.msk.u32 $0xffff, v4;
	_ =	sdelay $0x5  }
0x4d: {  	v4, _, _ =	vpop (xrf0)  }
0x4e: {  	v4 =	vxor.u32 $0x80000000, v4  }
0x4f: {  	v4 =	vperm.xlane v4, v3;
	_ =	sdelay $0x1  }
0x50: {  	v5 =	vand.u32 $0x1FFFF, v4  }
0x51: {  	v58 =	vshrl.u32 v5, $0x1  }
0x52: {  	v6 =	vsub.s32 v58, v0  }
0x53: {  	vm1 =	vgt.s32 v6, $0x0  }
0x54: {  	v59 =	vnsel vm1, $0x0, v6  }
0x55: {  	v7 =	vmin.u32 v59, $0xC3F;
	_ =	sdelay $0x4  }
0x56: {  	v7 =	vld.idx.msk [tilespmem:v7+s8+$0x0], $0xffff;
	_ =	sdelay $0x1  }
0x57: {  	v4 =	vand.u32 $0x1, v4  }
0x58: {  	vm2 =	veq.s32 v4, $0x0;
	vm1 =	vlt.u32 v6, $0xC40  }
0x59: {  	vm1 =	vmand vm2, vm1  }
0x5a: {  	v4 =	vsel vm1, v7, v5  }
0x5b: {  	[tilespmem:s10+$0xFFFFFFE0] =	vst v4;
	v4 =	vshra.s32 v4, $0x1  }
0x5c: {  	[tilespmem:s9+$0xFFFFFFE0] =	vst v4  }
0x5d: {  	v4 =	vld [tilespmem:s10+$0xFFFFFFD0];
	_ =	sdelay $0x3  }
0x5e: {  	s12 =	sadd.s32 $0xC00, s12  }
0x5f: {  	v61 =	vor.u32 s12, v1;
	v5 =	vand.u32 $0x1, v4;
	v60 =	vshra.s32 v4, $0x1  }
0x60: {  	vm1 =	veq.s32 v5, $0x1;
	vm2 =	vne.s32 v60, v61  }
0x61: {  	vm1 =	vmor vm2, vm1  }
0x62: {  	v5 =	vor.u32 v2, v4;
	vm1 =	vmor vm1, vm0  }
0x63: {  	v4 =	vsel vm1, v5, v4  }
0x64: {  	v4 =	vperm.xlane v4, v3;
	_ =	sdelay $0x1  }
0x65: {  	v4 =	vxor.u32 $0x80000000, v4  }
0x66: {  	(xrf0) =	vmax.scan.msk.u32 $0xffff, v4;
	_ =	sdelay $0x5  }
0x67: {  	v4, _, _ =	vpop (xrf0)  }
0x68: {  	v4 =	vxor.u32 $0x80000000, v4  }
0x69: {  	v4 =	vperm.xlane v4, v3;
	_ =	sdelay $0x1  }
0x6a: {  	v5 =	vand.u32 $0x1FFFF, v4  }
0x6b: {  	v62 =	vshrl.u32 v5, $0x1  }
0x6c: {  	v6 =	vsub.s32 v62, v0  }
0x6d: {  	vm1 =	vgt.s32 v6, $0x0  }
0x6e: {  	v63 =	vnsel vm1, $0x0, v6  }
0x6f: {  	v7 =	vmin.u32 v63, $0xC3F;
	_ =	sdelay $0x4  }
0x70: {  	v7 =	vld.idx.msk [tilespmem:v7+s8+$0x0], $0xffff;
	_ =	sdelay $0x1  }
0x71: {  	p0 =	sne.s32 s11, $0xFFFFF400;
	v4 =	vand.u32 $0x1, v4  }
.Ltmp0:
0x72: {  	vm2 =	veq.s32 v4, $0x0;
	vm1 =	vlt.u32 v6, $0xC40;
	(pc) =	sbr.rel @p0 .LBB2_1-.Ltmp0, $4  }
0x73: {  	vm1 =	vmand vm2, vm1  }
0x74: {  	v4 =	vsel vm1, v7, v5  }
0x75: {  	[tilespmem:s10+$0xFFFFFFD0] =	vst v4;
	v4 =	vshra.s32 v4, $0x1  }
0x76: {  	s11 =	sadd.s32 $0xFFFFFFC0, s11;
	s10 =	sadd.s32 $0xFFFFFFC0, s10;
	[tilespmem:s9+$0xFFFFFFD0] =	vst v4;
	s9 =	sadd.s32 $0xFFFFFFC0, s9  }
0x77: {  	s8 =	simm.s32 $0x2  }
0x78: {  	_ =	swait.ge [sflag:s8], $0x24C0  }
0x79: {  	[sflag:s8] =	ssyncset.done $0x0  }
0x7a: {  	s7 =	sadd.s32 s7, s3;
	s31 =	simm.s32 $0x2580;
	[sflag:s8] =	ssyncadd.s32 $0xFFFFDB40  }
0x7b: {  	[spmem:s7] =	stream.linear.scatter [tilespmem:s31], [sflag:$0x3], $0x24C0, $0x38;
	[tilespmem:$0x7B80] =	vst v63  }
0x7c: {  	s7 =	simm.s32 $0x3  }
0x7d: {  	_ =	swait.ge [sflag:s7], $0x24C0  }
0x7e: {  	[sflag:s7] =	ssyncset.done $0x0  }
0x7f: {  	s6 =	sadd.s32 s6, s5;
	s8 =	simm.s32 $0x0;
	[sflag:s7] =	ssyncadd.s32 $0xFFFFDB40  }
0x80: {  	[spmem:s6] =	stream.linear.scatter [tilespmem:s8], [sflag:$0x3], $0xC40, $0x38;
	[tilespmem:$0x7B80] =	vst v63  }
0x81: {  	_ =	swait.ge [sflag:s7], $0xC40  }
0x82: {  	s9 =	simm.s32 $0xC40;
	[sflag:s7] =	ssyncset.done $0x0  }
0x83: {  	s10 =	simm.s32 $0xC80;
	s11 =	simm.s32 $0x1900;
	[sflag:s7] =	ssyncadd.s32 $0xFFFFF3C0  }
0x84: {  	s12 =	simm.s32 $0x1;
	s13 =	simm.s32 $0x0;
	[bflag:$0x0] =	sbarrier.arrive $0xFFFF  }
.LBB2_3:
0x85: {  	[tilespmem:s11], [sflag:$0x1] =	stream.indirect.gather [spmem:s5], $0x1, s10, s9, $0xb8;
	[tilespmem:$0x7B80] =	vst v63  }
0x86: {  	_ =	swait.ge [sflag:s12], $0xC40  }
0x87: {  	[sflag:s12] =	ssyncset.done $0x0  }
0x88: {  	s15 =	simm.s32 $0x0;
	[sflag:s12] =	ssyncadd.s32 $0xFFFFF3C0  }
0x89: {  	v0 =	vld [tilespmem:s15+$0x1900]  }
0x8a: {  	v2 =	vld [tilespmem:s15+$0x1910]  }
0x8b: {  	v3 =	vld [tilespmem:s15+$0x0]  }
0x8c: {  	v4 =	vld [tilespmem:s15+$0x10]  }
0x8d: {  	v5 =	vld [tilespmem:s15+$0x20]  }
0x8e: {  	v7 =	vld [tilespmem:s15+$0x30]  }
0x8f: {  	v6 =	vld [tilespmem:s15+$0x1920]  }
0x90: {  	v8 =	vld [tilespmem:s15+$0x1930]  }
0x91: {  	v1 =	vand.u32 $0x1, v3  }
0x92: {  	s14 =	simm.s32 $0x40;
	v9 =	vand.u32 $0x1, v4;
	v62 =	vand.u32 $0x1, v5;
	vm0 =	veq.s32 v1, $0x0  }
0x93: {  	v63 =	vand.u32 $0x1, v7;
	v1 =	vld [tilespmem:s14+$0x1900];
	vm13 =	veq.s32 v9, $0x0;
	v3 =	vsel vm0, v0, v3  }
0x94: {  	vm14 =	veq.s32 v62, $0x0;
	vm15 =	veq.s32 v63, $0x0;
	v0 =	vld [tilespmem:s14+$0x1910];
	v10 =	vsel vm13, v2, v4;
	[tilespmem:s15+$0x0] =	vst v3  }
0x95: {  	v5 =	vsel vm14, v6, v5;
	v7 =	vsel vm15, v8, v7;
	v2 =	vld [tilespmem:s14+$0x0];
	[tilespmem:s15+$0x10] =	vst v10  }
0x96: {  	s16 =	simm.s32 $0x200;
	v4 =	vshra.s32 v3, $0x1;
	v6 =	vshra.s32 v10, $0x1;
	v3 =	vld [tilespmem:s14+$0x10];
	[tilespmem:s15+$0x20] =	vst v5;
	v5 =	vshra.s32 v5, $0x1  }
.LBB2_4:
0x97: {  	p0 =	sne.s32 s16, $0x3000;
	v8 =	vld [tilespmem:s14+$0x20];
	[tilespmem:s15+$0x30] =	vst v7;
	v7 =	vshra.s32 v7, $0x1  }
0x98: {  	v9 =	vld [tilespmem:s14+$0x30];
	[tilespmem:s15+$0xC80] =	vst v4  }
0x99: {  	v10 =	vld [tilespmem:s14+$0x1920];
	[tilespmem:s15+$0xC90] =	vst v6  }
0x9a: {  	v4 =	vand.u32 $0x1, v2;
	v11 =	vld [tilespmem:s14+$0x1930];
	[tilespmem:s15+$0xCA0] =	vst v5  }
.Ltmp1:
0x9b: {  	vm0 =	veq.s32 v4, $0x0;
	v4 =	vand.u32 $0x1, v3;
	[tilespmem:s15+$0xCB0] =	vst v7;
	s15 =	smov.u32 s14;
	s14 =	sshra.s32 s16, $0x2;
	(pc) =	sbr.rel @p0 .LBB2_4-.Ltmp1, $4  }
0x9c: {  	v5 =	vsel vm0, v1, v2;
	v1 =	vld [tilespmem:s14+$0x1900];
	vm0 =	veq.s32 v4, $0x0;
	v2 =	vand.u32 $0x1, v8  }
0x9d: {  	[tilespmem:s15+$0x0] =	vst v5;
	v6 =	vsel vm0, v0, v3;
	v0 =	vld [tilespmem:s14+$0x1910];
	vm0 =	veq.s32 v2, $0x0;
	v3 =	vand.u32 $0x1, v9  }
0x9e: {  	v4 =	vshra.s32 v5, $0x1;
	v2 =	vld [tilespmem:s14+$0x0];
	[tilespmem:s15+$0x10] =	vst v6;
	v5 =	vsel vm0, v10, v8;
	vm0 =	veq.s32 v3, $0x0  }
0x9f: {  	s16 =	sadd.s32 $0x100, s16;
	v6 =	vshra.s32 v6, $0x1;
	v3 =	vld [tilespmem:s14+$0x10];
	[tilespmem:s15+$0x20] =	vst v5;
	v5 =	vshra.s32 v5, $0x1;
	v7 =	vsel vm0, v11, v9  }
0xa0: {  	_ = 	snop  }
0xa1: {  	v8 =	vld [tilespmem:s14+$0x20];
	[tilespmem:s15+$0x30] =	vst v7  }
0xa2: {  	v9 =	vld [tilespmem:s14+$0x30];
	[tilespmem:s15+$0xC80] =	vst v4  }
0xa3: {  	v4 =	vld [tilespmem:s14+$0x1920];
	[tilespmem:s15+$0xC90] =	vst v6;
	v56 =	vand.u32 $0x1, v2  }
0xa4: {  	v57 =	vshra.s32 v7, $0x1;
	v10 =	vld [tilespmem:s14+$0x1930];
	[tilespmem:s15+$0xCA0] =	vst v5;
	vm0 =	veq.s32 v56, $0x0;
	v58 =	vand.u32 $0x1, v3  }
0xa5: {  	[tilespmem:s15+$0xCB0] =	vst v57;
	v1 =	vsel vm0, v1, v2;
	vm13 =	veq.s32 v58, $0x0  }
0xa6: {  	v59 =	vand.u32 $0x1, v8;
	[tilespmem:s14+$0x0] =	vst v1;
	v0 =	vsel vm13, v0, v3  }
0xa7: {  	vm14 =	veq.s32 v59, $0x0;
	v1 =	vshra.s32 v1, $0x1;
	[tilespmem:s14+$0x10] =	vst v0  }
0xa8: {  	v60 =	vand.u32 $0x1, v9;
	v61 =	vsel vm14, v4, v8;
	[tilespmem:s14+$0xC80] =	vst v1  }
0xa9: {  	vm15 =	veq.s32 v60, $0x0;
	v0 =	vshra.s32 v0, $0x1;
	[tilespmem:s14+$0x20] =	vst v61  }
0xaa: {  	v2 =	vsel vm15, v10, v9;
	[tilespmem:s14+$0xC90] =	vst v0  }
0xab: {  	v62 =	vshra.s32 v61, $0x1;
	[tilespmem:s14+$0x30] =	vst v2  }
0xac: {  	s13 =	sadd.s32 $0x1, s13;
	v63 =	vshra.s32 v2, $0x1;
	[tilespmem:s14+$0xCA0] =	vst v62  }
0xad: {  	p0 =	sne.s32 s13, $0x3;
	[tilespmem:s14+$0xCB0] =	vst v63  }
0xae: {  	[spmem:s6] =	stream.linear.scatter [tilespmem:s8], [sflag:$0x3], $0xC40, $0x38;
	[tilespmem:$0x7B80] =	vst v63  }
.Ltmp2:
0xaf: {  	_ =	swait.ge [sflag:s7], $0xC40;
	(pc) =	sbr.rel @p0 .LBB2_3-.Ltmp2, $3  }
0xb0: {  	[sflag:s7] =	ssyncset.done $0x0  }
0xb1: {  	[sflag:s7] =	ssyncadd.s32 $0xFFFFF3C0  }
0xb2: {  	[bflag:$0x0] =	sbarrier.arrive $0xFFFF;
	_ =	sdelay $0x1  }
0xb3: {  	s6 =	simm.s32 $0xC40  }
0xb4: {  	s7 =	simm.s32 $0xC80;
	s8 =	simm.s32 $0x1900;
	s31 =	simm.s32 $0x1  }
0xb5: {  	[tilespmem:s8], [sflag:$0x1] =	stream.indirect.gather [spmem:s5], $0x1, s7, s6, $0xb8;
	[tilespmem:$0x7B80] =	vst v63  }
0xb6: {  	_ =	swait.ge [sflag:s31], $0xC40  }
0xb7: {  	[sflag:s31] =	ssyncset.done $0x0  }
0xb8: {  	s6 =	simm.s32 $0x0;
	[sflag:s31] =	ssyncadd.s32 $0xFFFFF3C0  }
0xb9: {  	v0 =	vld [tilespmem:s6+$0x1900]  }
0xba: {  	v2 =	vld [tilespmem:s6+$0x1910]  }
0xbb: {  	v3 =	vld [tilespmem:s6+$0x0]  }
0xbc: {  	v4 =	vld [tilespmem:s6+$0x10]  }
0xbd: {  	v5 =	vld [tilespmem:s6+$0x20]  }
0xbe: {  	v7 =	vld [tilespmem:s6+$0x30]  }
0xbf: {  	v6 =	vld [tilespmem:s6+$0x1920]  }
0xc0: {  	v8 =	vld [tilespmem:s6+$0x1930]  }
0xc1: {  	v1 =	vand.u32 $0x1, v3  }
0xc2: {  	s5 =	simm.s32 $0x40;
	v9 =	vand.u32 $0x1, v4;
	v62 =	vand.u32 $0x1, v5;
	vm0 =	veq.s32 v1, $0x0  }
0xc3: {  	v63 =	vand.u32 $0x1, v7;
	v1 =	vld [tilespmem:s5+$0x1900];
	vm13 =	veq.s32 v9, $0x0;
	v3 =	vsel vm0, v0, v3  }
0xc4: {  	vm14 =	veq.s32 v62, $0x0;
	vm15 =	veq.s32 v63, $0x0;
	v0 =	vld [tilespmem:s5+$0x1910];
	v10 =	vsel vm13, v2, v4;
	[tilespmem:s6+$0x0] =	vst v3  }
0xc5: {  	v5 =	vsel vm14, v6, v5;
	v7 =	vsel vm15, v8, v7;
	v2 =	vld [tilespmem:s5+$0x0];
	[tilespmem:s6+$0x10] =	vst v10  }
0xc6: {  	s7 =	simm.s32 $0x200;
	v4 =	vshra.s32 v3, $0x1;
	v6 =	vshra.s32 v10, $0x1;
	v3 =	vld [tilespmem:s5+$0x10];
	[tilespmem:s6+$0x20] =	vst v5;
	v5 =	vshra.s32 v5, $0x1  }
.LBB2_7:
0xc7: {  	p0 =	sne.s32 s7, $0x3000;
	v8 =	vld [tilespmem:s5+$0x20];
	[tilespmem:s6+$0x30] =	vst v7;
	v7 =	vshra.s32 v7, $0x1  }
0xc8: {  	v9 =	vld [tilespmem:s5+$0x30];
	[tilespmem:s6+$0xC80] =	vst v4  }
0xc9: {  	v10 =	vld [tilespmem:s5+$0x1920];
	[tilespmem:s6+$0xC90] =	vst v6  }
0xca: {  	v4 =	vand.u32 $0x1, v2;
	v11 =	vld [tilespmem:s5+$0x1930];
	[tilespmem:s6+$0xCA0] =	vst v5  }
.Ltmp3:
0xcb: {  	vm0 =	veq.s32 v4, $0x0;
	v4 =	vand.u32 $0x1, v3;
	[tilespmem:s6+$0xCB0] =	vst v7;
	s6 =	smov.u32 s5;
	s5 =	sshra.s32 s7, $0x2;
	(pc) =	sbr.rel @p0 .LBB2_7-.Ltmp3, $4  }
0xcc: {  	v5 =	vsel vm0, v1, v2;
	v1 =	vld [tilespmem:s5+$0x1900];
	vm0 =	veq.s32 v4, $0x0;
	v2 =	vand.u32 $0x1, v8  }
0xcd: {  	[tilespmem:s6+$0x0] =	vst v5;
	v6 =	vsel vm0, v0, v3;
	v0 =	vld [tilespmem:s5+$0x1910];
	vm0 =	veq.s32 v2, $0x0;
	v3 =	vand.u32 $0x1, v9  }
0xce: {  	v4 =	vshra.s32 v5, $0x1;
	v2 =	vld [tilespmem:s5+$0x0];
	[tilespmem:s6+$0x10] =	vst v6;
	v5 =	vsel vm0, v10, v8;
	vm0 =	veq.s32 v3, $0x0  }
0xcf: {  	s7 =	sadd.s32 $0x100, s7;
	v6 =	vshra.s32 v6, $0x1;
	v3 =	vld [tilespmem:s5+$0x10];
	[tilespmem:s6+$0x20] =	vst v5;
	v5 =	vshra.s32 v5, $0x1;
	v7 =	vsel vm0, v11, v9  }
0xd0: {  	_ = 	snop  }
0xd1: {  	v8 =	vld [tilespmem:s5+$0x20];
	[tilespmem:s6+$0x30] =	vst v7  }
0xd2: {  	v9 =	vld [tilespmem:s5+$0x30];
	[tilespmem:s6+$0xC80] =	vst v4  }
0xd3: {  	v4 =	vld [tilespmem:s5+$0x1920];
	[tilespmem:s6+$0xC90] =	vst v6;
	v56 =	vand.u32 $0x1, v2  }
0xd4: {  	v57 =	vshra.s32 v7, $0x1;
	v10 =	vld [tilespmem:s5+$0x1930];
	[tilespmem:s6+$0xCA0] =	vst v5;
	vm0 =	veq.s32 v56, $0x0;
	v58 =	vand.u32 $0x1, v3  }
0xd5: {  	[tilespmem:s6+$0xCB0] =	vst v57;
	v1 =	vsel vm0, v1, v2;
	vm13 =	veq.s32 v58, $0x0  }
0xd6: {  	v59 =	vand.u32 $0x1, v8;
	[tilespmem:s5+$0x0] =	vst v1;
	v0 =	vsel vm13, v0, v3  }
0xd7: {  	vm14 =	veq.s32 v59, $0x0;
	v1 =	vshra.s32 v1, $0x1;
	[tilespmem:s5+$0x10] =	vst v0  }
0xd8: {  	v60 =	vand.u32 $0x1, v9;
	v61 =	vsel vm14, v4, v8;
	[tilespmem:s5+$0xC80] =	vst v1  }
0xd9: {  	vm15 =	veq.s32 v60, $0x0;
	v0 =	vshra.s32 v0, $0x1;
	[tilespmem:s5+$0x20] =	vst v61  }
0xda: {  	v2 =	vsel vm15, v10, v9;
	[tilespmem:s5+$0xC90] =	vst v0  }
0xdb: {  	v62 =	vshra.s32 v61, $0x1;
	[tilespmem:s5+$0x30] =	vst v2  }
0xdc: {  	v63 =	vshra.s32 v2, $0x1;
	[tilespmem:s5+$0xCA0] =	vst v62  }
0xdd: {  	s24 =	simm.s32 $0xC40;
	s25 =	simm.s32 $0xC80;
	s7 =	simm.s32 $0x2580;
	[tilespmem:s5+$0xCB0] =	vst v63  }
0xde: {  	[tilespmem:s7], [sflag:$0x1] =	stream.indirect.gather [spmem:s3], $0x1, s25, s24, $0xb8;
	[tilespmem:$0x7B80] =	vst v63  }
0xdf: {  	s8 =	sadd.s32 $0xC400, s3;
	s9 =	simm.s32 $0x31C0  }
0xe0: {  	[tilespmem:s9], [sflag:$0x1] =	stream.indirect.gather [spmem:s8], $0x1, s25, s24, $0xb8;
	[tilespmem:$0x7B80] =	vst v63  }
0xe1: {  	s26 =	sadd.s32 $0x18800, s3;
	s28 =	simm.s32 $0x3E00;
	s29 =	simm.s32 $0x1  }
0xe2: {  	[tilespmem:s28], [sflag:$0x1] =	stream.indirect.gather [spmem:s26], $0x1, s25, s24, $0xb8;
	[tilespmem:$0x7B80] =	vst v63  }
0xe3: {  	_ =	swait.ge [sflag:s29], $0xC40  }
0xe4: {  	[sflag:s29] =	ssyncset.done $0x0  }
0xe5: {  	[sflag:s29] =	ssyncadd.s32 $0xFFFFF3C0  }
0xe6: {  	_ =	swait.ge [sflag:s29], $0xC40  }
0xe7: {  	[sflag:s29] =	ssyncset.done $0x0  }
0xe8: {  	[sflag:s29] =	ssyncadd.s32 $0xFFFFF3C0  }
0xe9: {  	_ =	swait.ge [sflag:s29], $0xC40  }
0xea: {  	[sflag:s29] =	ssyncset.done $0x0  }
0xeb: {  	s2 =	sadd.s32 s4, s2;
	s30 =	simm.s32 $0x0;
	[sflag:s29] =	ssyncadd.s32 $0xFFFFF3C0  }
0xec: {  	[hbm4b:s2+s30] =	stream.linear.scatter [tilespmem:s7], [sflag:$0x2], $0xC40, $0x38;
	[tilespmem:$0x7B80] =	vst v63  }
0xed: {  	s4 =	sadd.s32 $0x1880, s2  }
0xee: {  	[hbm4b:s4+s30] =	stream.linear.scatter [tilespmem:s9], [sflag:$0x2], $0xC40, $0x38;
	[tilespmem:$0x7B80] =	vst v63  }
0xef: {  	s31 =	simm.s32 $0x2;
	s2 =	sadd.s32 $0x3100, s2  }
0xf0: {  	[hbm4b:s2+s30] =	stream.linear.scatter [tilespmem:s28], [sflag:$0x2], $0xC40, $0x38;
	[tilespmem:$0x7B80] =	vst v63  }
0xf1: {  	_ =	swait.ge [sflag:s31], $0xC40  }
0xf2: {  	[sflag:s31] =	ssyncset.done $0x0  }
0xf3: {  	[sflag:s31] =	ssyncadd.s32 $0xFFFFF3C0  }
0xf4: {  	_ =	swait.ge [sflag:s31], $0xC40  }
0xf5: {  	[sflag:s31] =	ssyncset.done $0x0  }
0xf6: {  	[sflag:s31] =	ssyncadd.s32 $0xFFFFF3C0  }
0xf7: {  	_ =	swait.ge [sflag:s31], $0xC40  }
0xf8: {  	[sflag:s31] =	ssyncset.done $0x0  }
0xf9: {  	[sflag:s31] =	ssyncadd.s32 $0xFFFFF3C0  }
0xfa: {  	_ =	sfence.sel $0x180000  }
0xfb: {  	[bflag:$0x0] =	sbarrier.arrive $0xFFFF  }
0xfc: {  	p0 =	sne.s32 s0, $0x0;
	_ =	strace $0x90000047  }
0xfd: {  	s0 =	sadd.s32 @!p0 $0x100000, s1;
	[bflag:$0x2] =	sbarrier.arrive $0xFFFF  }
0xfe: {  	[sflag:s0] =	ssyncadd.tile.s32 @!p0 $0x1;
	_ =	shalt  }
.Lfunc_end2:
_tile_overlayer_lowered:
.L_overlay_start_2:
0xff: {  	(tag) =	ssettag $0x2  }
0x100: {  	s0 =	rddreg [dreg:$0x0];
	s2 =	stileid.u32  }
0x101: {  	s1 =	rddreg [dreg:$0x1];
	p0 =	sne.s32 s2, $0x0  }
0x102: {  	s3 =	rddreg [dreg:$0x2];
	[bflag:$0x3] =	sbarrier.arrive $0xFFFF;
	s2 =	simm.s32 @!p0 $0x1C03  }
0x103: {  	[timem:s3], [sflag:s2] =	dma.local @!p0 [hbm:s0], s1  }
0x104: {  	s0 =	simm.s32 @!p0 $0x3  }
0x105: {  	_ =	swait.ge @!p0 [sflag:s0], s1  }
0x106: {  	s1 =	ssub.s32 @!p0 $0x0, s1;
	[sflag:s0] =	ssyncset.done @!p0 $0x0  }
0x107: {  	[sflag:s0] =	ssyncadd.s32 @!p0 s1  }
0x108: {  	[bflag:$0x3] =	sbarrier.arrive $0xFFFF  }
0x109: {  	_ =	shalt  }

</sc_bundles>
